<compile_context>
chip_gen: v7x
topology: tpu7x:2x2x1
jax: 0.10.2.dev20260603
libtpu: 0.0.44.dev20260713+nightly
codegen_flags: <defaults>
</compile_context>

<pallas_src>
import functools

import jax
import jax.numpy as jnp
from jax import lax
from jax.experimental import pallas as pl
from jax.experimental.pallas import tpu as pltpu
from jax.experimental.pallas import tpu_sc as plsc

E = 8
D = 768
K = 2
T = 4096
P = T * K
CH = 512
NCHUNK = P // CH
R = 256
NROWS = P + E * R
NBLK = NROWS // R
NW = 32
TPW = T // NW


def _rank_body(idx_ref, rank_ref, cnt_ref, cnt_scr):
    c = pl.program_id(0)

    @pl.when(c == 0)
    def _():
        cnt_scr[...] = jnp.zeros_like(cnt_scr)

    e_row = idx_ref[0]
    eids = lax.broadcasted_iota(jnp.int32, (E, CH), 0)
    oh = (e_row == eids).astype(jnp.float32)
    lower = (lax.broadcasted_iota(jnp.int32, (CH, CH), 0)
             < lax.broadcasted_iota(jnp.int32, (CH, CH), 1)).astype(jnp.float32)
    csum = lax.dot_general(oh, lower, (((1,), (0,)), ((), ())),
                           preferred_element_type=jnp.float32)
    base = cnt_scr[:, :1]
    rank_ref[0] = jnp.sum(oh * (csum + base), axis=0, keepdims=True)
    newcnt = base + jnp.sum(oh, axis=1, keepdims=True)
    cnt_scr[...] = jnp.broadcast_to(newcnt, cnt_scr.shape)

    @pl.when(c == NCHUNK - 1)
    def _():
        cnt_ref[...] = jnp.broadcast_to(newcnt, cnt_ref.shape)


def _dest_body(idx_ref, cnt_ref, rank_ref, dest_ref, be_ref):
    cnt = cnt_ref[:, :1]
    padded = jnp.floor((cnt + (R - 1)) / R) * R
    lt = (lax.broadcasted_iota(jnp.int32, (E, E), 1)
          < lax.broadcasted_iota(jnp.int32, (E, E), 0)).astype(jnp.float32)
    offs = lax.dot_general(lt, padded, (((1,), (0,)), ((), ())),
                           preferred_element_type=jnp.float32)
    e_row = idx_ref[0]
    eids = lax.broadcasted_iota(jnp.int32, (E, CH), 0)
    oh = (e_row == eids).astype(jnp.float32)
    dest = rank_ref[0] + jnp.sum(oh * offs, axis=0, keepdims=True)
    dest_ref[0] = dest.astype(jnp.int32)

    @pl.when(pl.program_id(0) == 0)
    def _():
        jr = (lax.broadcasted_iota(jnp.int32, (E, NBLK), 1) * R).astype(jnp.float32)
        cmp = (offs <= jr).astype(jnp.int32)
        be_ref[...] = jnp.sum(cmp, axis=0, keepdims=True) - 1


def _routing(idx_kt):
    rank, cnt = pl.pallas_call(
        _rank_body,
        grid=(NCHUNK,),
        in_specs=[pl.BlockSpec((1, 1, CH), lambda c: (c, 0, 0))],
        out_specs=[pl.BlockSpec((1, 1, CH), lambda c: (c, 0, 0)),
                   pl.BlockSpec((E, 128), lambda c: (0, 0))],
        out_shape=[jax.ShapeDtypeStruct((NCHUNK, 1, CH), jnp.float32),
                   jax.ShapeDtypeStruct((E, 128), jnp.float32)],
        scratch_shapes=[pltpu.VMEM((E, 128), jnp.float32)],
        compiler_params=pltpu.CompilerParams(
            dimension_semantics=("arbitrary",)),
    )(idx_kt)
    dest, be = pl.pallas_call(
        _dest_body,
        grid=(NCHUNK,),
        in_specs=[pl.BlockSpec((1, 1, CH), lambda c: (c, 0, 0)),
                  pl.BlockSpec((E, 128), lambda c: (0, 0)),
                  pl.BlockSpec((1, 1, CH), lambda c: (c, 0, 0))],
        out_specs=[pl.BlockSpec((1, 1, CH), lambda c: (c, 0, 0)),
                   pl.BlockSpec((1, NBLK), lambda c: (0, 0))],
        out_shape=[jax.ShapeDtypeStruct((NCHUNK, 1, CH), jnp.int32),
                   jax.ShapeDtypeStruct((1, NBLK), jnp.int32)],
        compiler_params=pltpu.CompilerParams(
            dimension_semantics=("arbitrary",)),
    )(idx_kt, cnt, rank)
    return dest.reshape(K, T), be.reshape(NBLK)


def _sc_mesh():
    return plsc.VectorSubcoreMesh(core_axis_name="c", subcore_axis_name="s")


def _dispatch(flat, d0, d1):

    @functools.partial(
        pl.kernel,
        mesh=_sc_mesh(),
        out_type=jax.ShapeDtypeStruct((NROWS, D), jnp.float32),
        scratch_types=[
            pltpu.VMEM((TPW, D), jnp.float32),
            pltpu.VMEM((TPW,), jnp.int32),
            pltpu.VMEM((TPW,), jnp.int32),
            pltpu.SemaphoreType.DMA,
            pltpu.SemaphoreType.DMA,
        ],
    )
    def scatter_k(flat_hbm, d0_hbm, d1_hbm, xs_hbm, rows_v, i0_v, i1_v,
                  sem0, sem1):
        wid = lax.axis_index("s") * 2 + lax.axis_index("c")
        base = wid * TPW
        pltpu.sync_copy(d0_hbm.at[pl.ds(base, TPW)], i0_v)
        pltpu.sync_copy(d1_hbm.at[pl.ds(base, TPW)], i1_v)
        pltpu.sync_copy(flat_hbm.at[pl.ds(base, TPW)], rows_v)
        cp0 = pltpu.async_copy(rows_v, xs_hbm.at[i0_v], sem0)
        cp1 = pltpu.async_copy(rows_v, xs_hbm.at[i1_v], sem1)
        cp0.wait()
        cp1.wait()

    return scatter_k(flat, d0, d1)


def _combine(ys, d0, d1, p0, p1):

    @functools.partial(
        pl.kernel,
        mesh=_sc_mesh(),
        out_type=jax.ShapeDtypeStruct((P, D), jnp.float32),
        scratch_types=[
            pltpu.VMEM((TPW, D), jnp.float32),
            pltpu.VMEM((TPW,), jnp.int32),
            pltpu.VMEM((TPW,), jnp.int32),
            pltpu.SemaphoreType.DMA,
            pltpu.SemaphoreType.DMA,
        ],
    )
    def gather_k(ys_hbm, d0_hbm, d1_hbm, p0_hbm, p1_hbm, out_hbm,
                 rows_v, g_v, s_v, sem_g, sem_s):
        wid = lax.axis_index("s") * 2 + lax.axis_index("c")
        base = wid * TPW
        pltpu.sync_copy(d0_hbm.at[pl.ds(base, TPW)], g_v)
        pltpu.sync_copy(p0_hbm.at[pl.ds(base, TPW)], s_v)
        pltpu.async_copy(ys_hbm.at[g_v], rows_v, sem_g).wait()
        pltpu.async_copy(rows_v, out_hbm.at[s_v], sem_s).wait()
        pltpu.sync_copy(d1_hbm.at[pl.ds(base, TPW)], g_v)
        pltpu.sync_copy(p1_hbm.at[pl.ds(base, TPW)], s_v)
        pltpu.async_copy(ys_hbm.at[g_v], rows_v, sem_g).wait()
        pltpu.async_copy(rows_v, out_hbm.at[s_v], sem_s).wait()

    return gather_k(ys, d0, d1, p0, p1)


def _gmm_body(be_ref, x_ref, w_ref, b_ref, o_ref):
    e = be_ref[pl.program_id(0)]
    o_ref[...] = lax.dot_general(x_ref[...], w_ref[e],
                                 (((1,), (1,)), ((), ())),
                                 preferred_element_type=jnp.float32) + b_ref[e]


def _gmm(be, xs, W, b3):
    grid_spec = pltpu.PrefetchScalarGridSpec(
        num_scalar_prefetch=1,
        grid=(NBLK,),
        in_specs=[
            pl.BlockSpec((R, D), lambda i, be: (i, 0)),
            pl.BlockSpec((E, D, D), lambda i, be: (0, 0, 0)),
            pl.BlockSpec((E, 1, D), lambda i, be: (0, 0, 0)),
        ],
        out_specs=pl.BlockSpec((R, D), lambda i, be: (i, 0)),
    )
    return pl.pallas_call(
        _gmm_body,
        grid_spec=grid_spec,
        out_shape=jax.ShapeDtypeStruct((NROWS, D), jnp.float32),
        compiler_params=pltpu.CompilerParams(
            dimension_semantics=("arbitrary",)),
    )(be, xs, W, b3)


def kernel(inputs, expert_indices, W, b):
    B, S, _ = inputs.shape
    flat = inputs.reshape(T, D)
    idx_kt = (expert_indices.astype(jnp.int32)
              .reshape(T, K).T.reshape(NCHUNK, 1, CH))
    b3 = b.reshape(E, 1, D)

    dest, be = _routing(idx_kt)
    d0, d1 = dest[0], dest[1]
    tpos = lax.iota(jnp.int32, T)
    p0, p1 = tpos * K, tpos * K + 1

    xs = _dispatch(flat, d0, d1)
    ys = _gmm(be, xs, W, b3)
    out = _combine(ys, d0, d1, p0, p1)
    return out.reshape(B, S, K, D)

# --- scband reference (transcript-rebuilt; emitter-appended) ---
"""Pipeline reference for scband-praxis-expert-30915174596851 (READ-ONLY COPY).

The authoritative reference and input builder live on the scoring server;
editing this copy changes nothing except your own understanding.
"""

import jax, jax.numpy as jnp
import numpy as np

B, S, D = 2, 2048, 768
E, K = 8, 2

def setup_inputs(seed: int = 0) -> dict:
    key = jax.random.key(seed)
    k1, k2, k3, k4 = jax.random.split(key, 4)
    inputs = jax.random.normal(k1, (B, S, D), dtype=jnp.float32)
    expert_indices = jax.random.randint(k2, (B, S, K), 0, E, dtype=jnp.int64) if jax.config.jax_enable_x64 else jax.random.randint(k2, (B, S, K), 0, E, dtype=jnp.int32)
    # Expert parameters: each expert is a Linear(D, D) with weight [D, D] and bias [D]
    W = jax.random.normal(k3, (E, D, D), dtype=jnp.float32) * 0.02
    b = jax.random.normal(k4, (E, D), dtype=jnp.float32) * 0.02
    return {"inputs": inputs, "expert_indices": expert_indices, "W": W, "b": b}

def reference(inputs, expert_indices, W, b):
    # Faithful translation of PraxisExpertGradFunction.forward:
    # for each expert, route the tokens/slots assigned to it through that
    # expert's Linear layer and scatter results into outputs[t, slot, :].
    Bv, Sv, Dv = inputs.shape
    kv = expert_indices.shape[-1]
    Ev = W.shape[0]
    flat = inputs.reshape(-1, Dv)                  # [T, D]
    idx = expert_indices.reshape(-1, kv)            # [T, K]
    outputs = jnp.zeros((flat.shape[0], kv, Dv), dtype=inputs.dtype)
    for e in range(Ev):
        y = flat @ W[e].T + b[e]                    # expert e applied to all tokens [T, D]
        mask = (idx == e)                           # [T, K] which (token, slot) pairs chose expert e
        outputs = outputs + mask[..., None].astype(inputs.dtype) * y[:, None, :]
    return outputs.reshape(Bv, Sv, kv, Dv)

if __name__ == "__main__":
    import jax
    _d = setup_inputs()
    print(jax.jit(kernel)(*tuple(_d.values())))

</pallas_src>

<mosaic_0001>
#map = affine_map<(d0, d1) -> (0, 0)>
#map1 = affine_map<(d0, d1) -> (0)>
module attributes {stable_mosaic.version = 14 : i64} {
  func.func @gather_k(%arg0: i32, %arg1: i32, %arg2: memref<10240x768xf32, #tpu.memory_space<hbm>>, %arg3: memref<4096xi32, #tpu.memory_space<hbm>>, %arg4: memref<4096xi32, #tpu.memory_space<hbm>>, %arg5: memref<4096xi32, #tpu.memory_space<hbm>>, %arg6: memref<4096xi32, #tpu.memory_space<hbm>>, %arg7: memref<8192x768xf32, #tpu.memory_space<hbm>>, %arg8: memref<128x768xf32, #tpu.memory_space<vmem>>, %arg9: memref<128xi32, #tpu.memory_space<vmem>>, %arg10: memref<128xi32, #tpu.memory_space<vmem>>, %arg11: memref<!tpu.dma_semaphore, #tpu.memory_space<semaphore_mem>>, %arg12: memref<!tpu.dma_semaphore, #tpu.memory_space<semaphore_mem>>) attributes {dimension_semantics = [#tpu.dimension_semantics<core_parallel>, #tpu.dimension_semantics<subcore_parallel>], iteration_bounds = array<i64: 2, 16>, scalar_prefetch = 0 : i64, scratch_operands = 5 : i64, tpu.core_type = #tpu.core_type<sc_vector_subcore>, window_params = [{transform_indices = #map}, {transform_indices = #map1}, {transform_indices = #map1}, {transform_indices = #map1}, {transform_indices = #map1}, {transform_indices = #map}]} {
    %mul3A = arith.constant 2 : i32
    %mul3A_0 = arith.muli %arg1, %mul3A : i32
    %add3A = arith.addi %mul3A_0, %arg0 : i32
    %mul3A_1 = arith.constant 128 : i32
    %mul3A_2 = arith.muli %add3A, %mul3A_1 : i32
    "tpu.region"() ({
      %run_scoped3A = tpu.sem_alloc : memref<!tpu.dma_semaphore, #tpu.memory_space<semaphore_mem>>
      %dma_start3A_25 = tpu.memref_slice %arg3[%mul3A_2] : memref<4096xi32, #tpu.memory_space<hbm>> -> memref<128xi32, #tpu.memory_space<hbm>>
      %dma_start3A_26 = tpu.memref_slice %arg3[%mul3A_2] : memref<4096xi32, #tpu.memory_space<hbm>> -> memref<128xi32, #tpu.memory_space<hbm>>
      tpu.enqueue_dma source(%dma_start3A_26 : memref<128xi32, #tpu.memory_space<hbm>>) target(%arg9 : memref<128xi32, #tpu.memory_space<vmem>>) target_semaphore(%run_scoped3A : memref<!tpu.dma_semaphore, #tpu.memory_space<semaphore_mem>>)
      %dma_wait3A_27 = tpu.memref_slice %arg3[%mul3A_2] : memref<4096xi32, #tpu.memory_space<hbm>> -> memref<128xi32, #tpu.memory_space<hbm>>
      %dma_wait3A_28 = tpu.memref_slice %arg3[%mul3A_2] : memref<4096xi32, #tpu.memory_space<hbm>> -> memref<128xi32, #tpu.memory_space<hbm>>
      tpu.wait_dma2 semaphore(%run_scoped3A : memref<!tpu.dma_semaphore, #tpu.memory_space<semaphore_mem>>) src(%dma_wait3A_28 : memref<128xi32, #tpu.memory_space<hbm>>) dst(%arg9 : memref<128xi32, #tpu.memory_space<vmem>>)
      tpu.yield
    }) : () -> ()
    "tpu.region"() ({
      %run_scoped3A = tpu.sem_alloc : memref<!tpu.dma_semaphore, #tpu.memory_space<semaphore_mem>>
      %dma_start3A_25 = tpu.memref_slice %arg5[%mul3A_2] : memref<4096xi32, #tpu.memory_space<hbm>> -> memref<128xi32, #tpu.memory_space<hbm>>
      %dma_start3A_26 = tpu.memref_slice %arg5[%mul3A_2] : memref<4096xi32, #tpu.memory_space<hbm>> -> memref<128xi32, #tpu.memory_space<hbm>>
      tpu.enqueue_dma source(%dma_start3A_26 : memref<128xi32, #tpu.memory_space<hbm>>) target(%arg10 : memref<128xi32, #tpu.memory_space<vmem>>) target_semaphore(%run_scoped3A : memref<!tpu.dma_semaphore, #tpu.memory_space<semaphore_mem>>)
      %dma_wait3A_27 = tpu.memref_slice %arg5[%mul3A_2] : memref<4096xi32, #tpu.memory_space<hbm>> -> memref<128xi32, #tpu.memory_space<hbm>>
      %dma_wait3A_28 = tpu.memref_slice %arg5[%mul3A_2] : memref<4096xi32, #tpu.memory_space<hbm>> -> memref<128xi32, #tpu.memory_space<hbm>>
      tpu.wait_dma2 semaphore(%run_scoped3A : memref<!tpu.dma_semaphore, #tpu.memory_space<semaphore_mem>>) src(%dma_wait3A_28 : memref<128xi32, #tpu.memory_space<hbm>>) dst(%arg10 : memref<128xi32, #tpu.memory_space<vmem>>)
      tpu.yield
    }) : () -> ()
    %dma_start3A = arith.constant 0 : i32
    %dma_start3A_3 = arith.constant 0 : i32
    %dma_start3A_4 = tpu.memref_slice %arg2[%dma_start3A, %dma_start3A_3] : memref<10240x768xf32, #tpu.memory_space<hbm>> -> memref<10240x768xf32, #tpu.memory_space<hbm>>
    tpu.enqueue_indirect_dma source(%dma_start3A_4 : memref<10240x768xf32, #tpu.memory_space<hbm>>) target(%arg8 : memref<128x768xf32, #tpu.memory_space<vmem>>) offsets(%arg9 : memref<128xi32, #tpu.memory_space<vmem>>) semaphore(%arg11 : memref<!tpu.dma_semaphore, #tpu.memory_space<semaphore_mem>>)
    %dma_wait3A = arith.constant 0 : i32
    %dma_wait3A_5 = arith.constant 0 : i32
    %dma_wait3A_6 = tpu.memref_slice %arg2[%dma_wait3A, %dma_wait3A_5] : memref<10240x768xf32, #tpu.memory_space<hbm>> -> memref<10240x768xf32, #tpu.memory_space<hbm>>
    tpu.wait_indirect_dma semaphore(%arg11 : memref<!tpu.dma_semaphore, #tpu.memory_space<semaphore_mem>>) src(%dma_wait3A_6 : memref<10240x768xf32, #tpu.memory_space<hbm>>) dst(%arg8 : memref<128x768xf32, #tpu.memory_space<vmem>>)
    %dma_start3A_7 = arith.constant 0 : i32
    %dma_start3A_8 = arith.constant 0 : i32
    %dma_start3A_9 = tpu.memref_slice %arg7[%dma_start3A_7, %dma_start3A_8] : memref<8192x768xf32, #tpu.memory_space<hbm>> -> memref<8192x768xf32, #tpu.memory_space<hbm>>
    tpu.enqueue_indirect_dma source(%arg8 : memref<128x768xf32, #tpu.memory_space<vmem>>) target(%dma_start3A_9 : memref<8192x768xf32, #tpu.memory_space<hbm>>) offsets(%arg10 : memref<128xi32, #tpu.memory_space<vmem>>) semaphore(%arg12 : memref<!tpu.dma_semaphore, #tpu.memory_space<semaphore_mem>>)
    %dma_wait3A_10 = arith.constant 0 : i32
    %dma_wait3A_11 = arith.constant 0 : i32
    %dma_wait3A_12 = tpu.memref_slice %arg7[%dma_wait3A_10, %dma_wait3A_11] : memref<8192x768xf32, #tpu.memory_space<hbm>> -> memref<8192x768xf32, #tpu.memory_space<hbm>>
    tpu.wait_indirect_dma semaphore(%arg12 : memref<!tpu.dma_semaphore, #tpu.memory_space<semaphore_mem>>) src(%arg8 : memref<128x768xf32, #tpu.memory_space<vmem>>) dst(%dma_wait3A_12 : memref<8192x768xf32, #tpu.memory_space<hbm>>)
    "tpu.region"() ({
      %run_scoped3A = tpu.sem_alloc : memref<!tpu.dma_semaphore, #tpu.memory_space<semaphore_mem>>
      %dma_start3A_25 = tpu.memref_slice %arg4[%mul3A_2] : memref<4096xi32, #tpu.memory_space<hbm>> -> memref<128xi32, #tpu.memory_space<hbm>>
      %dma_start3A_26 = tpu.memref_slice %arg4[%mul3A_2] : memref<4096xi32, #tpu.memory_space<hbm>> -> memref<128xi32, #tpu.memory_space<hbm>>
      tpu.enqueue_dma source(%dma_start3A_26 : memref<128xi32, #tpu.memory_space<hbm>>) target(%arg9 : memref<128xi32, #tpu.memory_space<vmem>>) target_semaphore(%run_scoped3A : memref<!tpu.dma_semaphore, #tpu.memory_space<semaphore_mem>>)
      %dma_wait3A_27 = tpu.memref_slice %arg4[%mul3A_2] : memref<4096xi32, #tpu.memory_space<hbm>> -> memref<128xi32, #tpu.memory_space<hbm>>
      %dma_wait3A_28 = tpu.memref_slice %arg4[%mul3A_2] : memref<4096xi32, #tpu.memory_space<hbm>> -> memref<128xi32, #tpu.memory_space<hbm>>
      tpu.wait_dma2 semaphore(%run_scoped3A : memref<!tpu.dma_semaphore, #tpu.memory_space<semaphore_mem>>) src(%dma_wait3A_28 : memref<128xi32, #tpu.memory_space<hbm>>) dst(%arg9 : memref<128xi32, #tpu.memory_space<vmem>>)
      tpu.yield
    }) : () -> ()
    "tpu.region"() ({
      %run_scoped3A = tpu.sem_alloc : memref<!tpu.dma_semaphore, #tpu.memory_space<semaphore_mem>>
      %dma_start3A_25 = tpu.memref_slice %arg6[%mul3A_2] : memref<4096xi32, #tpu.memory_space<hbm>> -> memref<128xi32, #tpu.memory_space<hbm>>
      %dma_start3A_26 = tpu.memref_slice %arg6[%mul3A_2] : memref<4096xi32, #tpu.memory_space<hbm>> -> memref<128xi32, #tpu.memory_space<hbm>>
      tpu.enqueue_dma source(%dma_start3A_26 : memref<128xi32, #tpu.memory_space<hbm>>) target(%arg10 : memref<128xi32, #tpu.memory_space<vmem>>) target_semaphore(%run_scoped3A : memref<!tpu.dma_semaphore, #tpu.memory_space<semaphore_mem>>)
      %dma_wait3A_27 = tpu.memref_slice %arg6[%mul3A_2] : memref<4096xi32, #tpu.memory_space<hbm>> -> memref<128xi32, #tpu.memory_space<hbm>>
      %dma_wait3A_28 = tpu.memref_slice %arg6[%mul3A_2] : memref<4096xi32, #tpu.memory_space<hbm>> -> memref<128xi32, #tpu.memory_space<hbm>>
      tpu.wait_dma2 semaphore(%run_scoped3A : memref<!tpu.dma_semaphore, #tpu.memory_space<semaphore_mem>>) src(%dma_wait3A_28 : memref<128xi32, #tpu.memory_space<hbm>>) dst(%arg10 : memref<128xi32, #tpu.memory_space<vmem>>)
      tpu.yield
    }) : () -> ()
    %dma_start3A_13 = arith.constant 0 : i32
    %dma_start3A_14 = arith.constant 0 : i32
    %dma_start3A_15 = tpu.memref_slice %arg2[%dma_start3A_13, %dma_start3A_14] : memref<10240x768xf32, #tpu.memory_space<hbm>> -> memref<10240x768xf32, #tpu.memory_space<hbm>>
    tpu.enqueue_indirect_dma source(%dma_start3A_15 : memref<10240x768xf32, #tpu.memory_space<hbm>>) target(%arg8 : memref<128x768xf32, #tpu.memory_space<vmem>>) offsets(%arg9 : memref<128xi32, #tpu.memory_space<vmem>>) semaphore(%arg11 : memref<!tpu.dma_semaphore, #tpu.memory_space<semaphore_mem>>)
    %dma_wait3A_16 = arith.constant 0 : i32
    %dma_wait3A_17 = arith.constant 0 : i32
    %dma_wait3A_18 = tpu.memref_slice %arg2[%dma_wait3A_16, %dma_wait3A_17] : memref<10240x768xf32, #tpu.memory_space<hbm>> -> memref<10240x768xf32, #tpu.memory_space<hbm>>
    tpu.wait_indirect_dma semaphore(%arg11 : memref<!tpu.dma_semaphore, #tpu.memory_space<semaphore_mem>>) src(%dma_wait3A_18 : memref<10240x768xf32, #tpu.memory_space<hbm>>) dst(%arg8 : memref<128x768xf32, #tpu.memory_space<vmem>>)
    %dma_start3A_19 = arith.constant 0 : i32
    %dma_start3A_20 = arith.constant 0 : i32
    %dma_start3A_21 = tpu.memref_slice %arg7[%dma_start3A_19, %dma_start3A_20] : memref<8192x768xf32, #tpu.memory_space<hbm>> -> memref<8192x768xf32, #tpu.memory_space<hbm>>
    tpu.enqueue_indirect_dma source(%arg8 : memref<128x768xf32, #tpu.memory_space<vmem>>) target(%dma_start3A_21 : memref<8192x768xf32, #tpu.memory_space<hbm>>) offsets(%arg10 : memref<128xi32, #tpu.memory_space<vmem>>) semaphore(%arg12 : memref<!tpu.dma_semaphore, #tpu.memory_space<semaphore_mem>>)
    %dma_wait3A_22 = arith.constant 0 : i32
    %dma_wait3A_23 = arith.constant 0 : i32
    %dma_wait3A_24 = tpu.memref_slice %arg7[%dma_wait3A_22, %dma_wait3A_23] : memref<8192x768xf32, #tpu.memory_space<hbm>> -> memref<8192x768xf32, #tpu.memory_space<hbm>>
    tpu.wait_indirect_dma semaphore(%arg12 : memref<!tpu.dma_semaphore, #tpu.memory_space<semaphore_mem>>) src(%arg8 : memref<128x768xf32, #tpu.memory_space<vmem>>) dst(%dma_wait3A_24 : memref<8192x768xf32, #tpu.memory_space<hbm>>)
    return
  }
}

#map = affine_map<(d0, d1) -> (0, 0)>
#map1 = affine_map<(d0, d1) -> (0)>
module attributes {stable_mosaic.version = 14 : i64} {
  func.func @scatter_k(%arg0: i32, %arg1: i32, %arg2: memref<4096x768xf32, #tpu.memory_space<hbm>>, %arg3: memref<4096xi32, #tpu.memory_space<hbm>>, %arg4: memref<4096xi32, #tpu.memory_space<hbm>>, %arg5: memref<10240x768xf32, #tpu.memory_space<hbm>>, %arg6: memref<128x768xf32, #tpu.memory_space<vmem>>, %arg7: memref<128xi32, #tpu.memory_space<vmem>>, %arg8: memref<128xi32, #tpu.memory_space<vmem>>, %arg9: memref<!tpu.dma_semaphore, #tpu.memory_space<semaphore_mem>>, %arg10: memref<!tpu.dma_semaphore, #tpu.memory_space<semaphore_mem>>) attributes {dimension_semantics = [#tpu.dimension_semantics<core_parallel>, #tpu.dimension_semantics<subcore_parallel>], iteration_bounds = array<i64: 2, 16>, scalar_prefetch = 0 : i64, scratch_operands = 5 : i64, tpu.core_type = #tpu.core_type<sc_vector_subcore>, window_params = [{transform_indices = #map}, {transform_indices = #map1}, {transform_indices = #map1}, {transform_indices = #map}]} {
    %mul3A = arith.constant 2 : i32
    %mul3A_0 = arith.muli %arg1, %mul3A : i32
    %add3A = arith.addi %mul3A_0, %arg0 : i32
    %mul3A_1 = arith.constant 128 : i32
    %mul3A_2 = arith.muli %add3A, %mul3A_1 : i32
    "tpu.region"() ({
      %run_scoped3A = tpu.sem_alloc : memref<!tpu.dma_semaphore, #tpu.memory_space<semaphore_mem>>
      %dma_start3A_13 = tpu.memref_slice %arg3[%mul3A_2] : memref<4096xi32, #tpu.memory_space<hbm>> -> memref<128xi32, #tpu.memory_space<hbm>>
      %dma_start3A_14 = tpu.memref_slice %arg3[%mul3A_2] : memref<4096xi32, #tpu.memory_space<hbm>> -> memref<128xi32, #tpu.memory_space<hbm>>
      tpu.enqueue_dma source(%dma_start3A_14 : memref<128xi32, #tpu.memory_space<hbm>>) target(%arg7 : memref<128xi32, #tpu.memory_space<vmem>>) target_semaphore(%run_scoped3A : memref<!tpu.dma_semaphore, #tpu.memory_space<semaphore_mem>>)
      %dma_wait3A_15 = tpu.memref_slice %arg3[%mul3A_2] : memref<4096xi32, #tpu.memory_space<hbm>> -> memref<128xi32, #tpu.memory_space<hbm>>
      %dma_wait3A_16 = tpu.memref_slice %arg3[%mul3A_2] : memref<4096xi32, #tpu.memory_space<hbm>> -> memref<128xi32, #tpu.memory_space<hbm>>
      tpu.wait_dma2 semaphore(%run_scoped3A : memref<!tpu.dma_semaphore, #tpu.memory_space<semaphore_mem>>) src(%dma_wait3A_16 : memref<128xi32, #tpu.memory_space<hbm>>) dst(%arg7 : memref<128xi32, #tpu.memory_space<vmem>>)
      tpu.yield
    }) : () -> ()
    "tpu.region"() ({
      %run_scoped3A = tpu.sem_alloc : memref<!tpu.dma_semaphore, #tpu.memory_space<semaphore_mem>>
      %dma_start3A_13 = tpu.memref_slice %arg4[%mul3A_2] : memref<4096xi32, #tpu.memory_space<hbm>> -> memref<128xi32, #tpu.memory_space<hbm>>
      %dma_start3A_14 = tpu.memref_slice %arg4[%mul3A_2] : memref<4096xi32, #tpu.memory_space<hbm>> -> memref<128xi32, #tpu.memory_space<hbm>>
      tpu.enqueue_dma source(%dma_start3A_14 : memref<128xi32, #tpu.memory_space<hbm>>) target(%arg8 : memref<128xi32, #tpu.memory_space<vmem>>) target_semaphore(%run_scoped3A : memref<!tpu.dma_semaphore, #tpu.memory_space<semaphore_mem>>)
      %dma_wait3A_15 = tpu.memref_slice %arg4[%mul3A_2] : memref<4096xi32, #tpu.memory_space<hbm>> -> memref<128xi32, #tpu.memory_space<hbm>>
      %dma_wait3A_16 = tpu.memref_slice %arg4[%mul3A_2] : memref<4096xi32, #tpu.memory_space<hbm>> -> memref<128xi32, #tpu.memory_space<hbm>>
      tpu.wait_dma2 semaphore(%run_scoped3A : memref<!tpu.dma_semaphore, #tpu.memory_space<semaphore_mem>>) src(%dma_wait3A_16 : memref<128xi32, #tpu.memory_space<hbm>>) dst(%arg8 : memref<128xi32, #tpu.memory_space<vmem>>)
      tpu.yield
    }) : () -> ()
    "tpu.region"() ({
      %run_scoped3A = tpu.sem_alloc : memref<!tpu.dma_semaphore, #tpu.memory_space<semaphore_mem>>
      %dma_start3A_13 = arith.constant 0 : i32
      %dma_start3A_14 = tpu.memref_slice %arg2[%mul3A_2, %dma_start3A_13] : memref<4096x768xf32, #tpu.memory_space<hbm>> -> memref<128x768xf32, #tpu.memory_space<hbm>>
      %dma_start3A_15 = arith.constant 0 : i32
      %dma_start3A_16 = tpu.memref_slice %arg2[%mul3A_2, %dma_start3A_15] : memref<4096x768xf32, #tpu.memory_space<hbm>> -> memref<128x768xf32, #tpu.memory_space<hbm>>
      tpu.enqueue_dma source(%dma_start3A_16 : memref<128x768xf32, #tpu.memory_space<hbm>>) target(%arg6 : memref<128x768xf32, #tpu.memory_space<vmem>>) target_semaphore(%run_scoped3A : memref<!tpu.dma_semaphore, #tpu.memory_space<semaphore_mem>>)
      %dma_wait3A_17 = arith.constant 0 : i32
      %dma_wait3A_18 = tpu.memref_slice %arg2[%mul3A_2, %dma_wait3A_17] : memref<4096x768xf32, #tpu.memory_space<hbm>> -> memref<128x768xf32, #tpu.memory_space<hbm>>
      %dma_wait3A_19 = arith.constant 0 : i32
      %dma_wait3A_20 = tpu.memref_slice %arg2[%mul3A_2, %dma_wait3A_19] : memref<4096x768xf32, #tpu.memory_space<hbm>> -> memref<128x768xf32, #tpu.memory_space<hbm>>
      tpu.wait_dma2 semaphore(%run_scoped3A : memref<!tpu.dma_semaphore, #tpu.memory_space<semaphore_mem>>) src(%dma_wait3A_20 : memref<128x768xf32, #tpu.memory_space<hbm>>) dst(%arg6 : memref<128x768xf32, #tpu.memory_space<vmem>>)
      tpu.yield
    }) : () -> ()
    %dma_start3A = arith.constant 0 : i32
    %dma_start3A_3 = arith.constant 0 : i32
    %dma_start3A_4 = tpu.memref_slice %arg5[%dma_start3A, %dma_start3A_3] : memref<10240x768xf32, #tpu.memory_space<hbm>> -> memref<10240x768xf32, #tpu.memory_space<hbm>>
    tpu.enqueue_indirect_dma source(%arg6 : memref<128x768xf32, #tpu.memory_space<vmem>>) target(%dma_start3A_4 : memref<10240x768xf32, #tpu.memory_space<hbm>>) offsets(%arg7 : memref<128xi32, #tpu.memory_space<vmem>>) semaphore(%arg9 : memref<!tpu.dma_semaphore, #tpu.memory_space<semaphore_mem>>)
    %dma_start3A_5 = arith.constant 0 : i32
    %dma_start3A_6 = arith.constant 0 : i32
    %dma_start3A_7 = tpu.memref_slice %arg5[%dma_start3A_5, %dma_start3A_6] : memref<10240x768xf32, #tpu.memory_space<hbm>> -> memref<10240x768xf32, #tpu.memory_space<hbm>>
    tpu.enqueue_indirect_dma source(%arg6 : memref<128x768xf32, #tpu.memory_space<vmem>>) target(%dma_start3A_7 : memref<10240x768xf32, #tpu.memory_space<hbm>>) offsets(%arg8 : memref<128xi32, #tpu.memory_space<vmem>>) semaphore(%arg10 : memref<!tpu.dma_semaphore, #tpu.memory_space<semaphore_mem>>)
    %dma_wait3A = arith.constant 0 : i32
    %dma_wait3A_8 = arith.constant 0 : i32
    %dma_wait3A_9 = tpu.memref_slice %arg5[%dma_wait3A, %dma_wait3A_8] : memref<10240x768xf32, #tpu.memory_space<hbm>> -> memref<10240x768xf32, #tpu.memory_space<hbm>>
    tpu.wait_indirect_dma semaphore(%arg9 : memref<!tpu.dma_semaphore, #tpu.memory_space<semaphore_mem>>) src(%arg6 : memref<128x768xf32, #tpu.memory_space<vmem>>) dst(%dma_wait3A_9 : memref<10240x768xf32, #tpu.memory_space<hbm>>)
    %dma_wait3A_10 = arith.constant 0 : i32
    %dma_wait3A_11 = arith.constant 0 : i32
    %dma_wait3A_12 = tpu.memref_slice %arg5[%dma_wait3A_10, %dma_wait3A_11] : memref<10240x768xf32, #tpu.memory_space<hbm>> -> memref<10240x768xf32, #tpu.memory_space<hbm>>
    tpu.wait_indirect_dma semaphore(%arg10 : memref<!tpu.dma_semaphore, #tpu.memory_space<semaphore_mem>>) src(%arg6 : memref<128x768xf32, #tpu.memory_space<vmem>>) dst(%dma_wait3A_12 : memref<10240x768xf32, #tpu.memory_space<hbm>>)
    return
  }
}

module attributes {stable_mosaic.version = 14 : i64} {
  func.func @_dest_body(%arg0: i32, %arg1: memref<1x1x512xi32, #tpu.memory_space<vmem>>, %arg2: memref<8x128xf32, #tpu.memory_space<vmem>>, %arg3: memref<1x1x512xf32, #tpu.memory_space<vmem>>, %arg4: memref<1x1x512xi32, #tpu.memory_space<vmem>>, %arg5: memref<1x40xi32, #tpu.memory_space<vmem>>) attributes {dimension_semantics = [#tpu.dimension_semantics<arbitrary>], iteration_bounds = array<i64: 16>, scalar_prefetch = 0 : i64, scratch_operands = 0 : i64, tpu.core_type = #tpu.core_type<tc>, window_params = [{transform_indices = @transform_0, window_bounds = array<i64: 1, 1, 512>}, {pipeline_mode = #tpu.pipeline_mode<synchronous>, transform_indices = @transform_1, window_bounds = array<i64: 8, 128>}, {transform_indices = @transform_2, window_bounds = array<i64: 1, 1, 512>}, {transform_indices = @transform_3, window_bounds = array<i64: 1, 1, 512>}, {pipeline_mode = #tpu.pipeline_mode<synchronous>, transform_indices = @transform_4, window_bounds = array<i64: 1, 40>}]} {
    %get3A = arith.constant 0 : index
    %get3A_0 = arith.constant 0 : index
    %get3A_1 = vector.load %arg2[%get3A, %get3A_0] : memref<8x128xf32, #tpu.memory_space<vmem>>, vector<8x1xf32>
    %add3A = arith.constant 2.550000e+02 : f32
    %add3A_2 = vector.broadcast %add3A : f32 to vector<8x1xf32>
    %add3A_3 = arith.addf %get3A_1, %add3A_2 : vector<8x1xf32>
    %div3A = arith.constant 2.560000e+02 : f32
    %div3A_4 = vector.broadcast %div3A : f32 to vector<8x1xf32>
    %div3A_5 = arith.divf %add3A_3, %div3A_4 : vector<8x1xf32>
    %floor3A = math.floor %div3A_5 : vector<8x1xf32>
    %mul3A = arith.constant 2.560000e+02 : f32
    %mul3A_6 = vector.broadcast %mul3A : f32 to vector<8x1xf32>
    %mul3A_7 = arith.mulf %floor3A, %mul3A_6 : vector<8x1xf32>
    %iota3A = tpu.iota {dimensions = array<i32: 1>} : vector<8x8xi32>
    %iota3A_8 = tpu.iota {dimensions = array<i32: 0>} : vector<8x8xi32>
    %lt3A = arith.cmpi slt, %iota3A, %iota3A_8 : vector<8x8xi32>
    %convert_element_type3A = arith.extui %lt3A : vector<8x8xi1> to vector<8x8xi32>
    %convert_element_type3A_9 = arith.sitofp %convert_element_type3A : vector<8x8xi32> to vector<8x8xf32>
    %dot_general3A = arith.constant dense<0.000000e+00> : vector<8x1xf32>
    %dot_general3A_10 = tpu.matmul %convert_element_type3A_9, %mul3A_7, %dot_general3A {dimension_numbers = #tpu.dot_dimension_numbers<[1], [0], [0], [1], [0, 0, 1, 1], [], []>, transpose_lhs_hint = false} : vector<8x8xf32>, vector<8x1xf32>, vector<8x1xf32> -> vector<8x1xf32>
    %get3A_11 = arith.constant 0 : index
    %get3A_12 = arith.constant 0 : index
    %get3A_13 = arith.constant 0 : index
    %get3A_14 = vector.load %arg1[%get3A_11, %get3A_12, %get3A_13] : memref<1x1x512xi32, #tpu.memory_space<vmem>>, vector<1x1x512xi32>
    %get3A_15 = vector.shape_cast %get3A_14 : vector<1x1x512xi32> to vector<1x512xi32>
    %iota3A_16 = tpu.iota {dimensions = array<i32: 0>} : vector<8x512xi32>
    %eq3A = vector.broadcast %get3A_15 : vector<1x512xi32> to vector<8x512xi32>
    %eq3A_17 = arith.cmpi eq, %eq3A, %iota3A_16 : vector<8x512xi32>
    %convert_element_type3A_18 = arith.extui %eq3A_17 : vector<8x512xi1> to vector<8x512xi32>
    %convert_element_type3A_19 = arith.sitofp %convert_element_type3A_18 : vector<8x512xi32> to vector<8x512xf32>
    %get3A_20 = arith.constant 0 : index
    %get3A_21 = arith.constant 0 : index
    %get3A_22 = arith.constant 0 : index
    %get3A_23 = vector.load %arg3[%get3A_20, %get3A_21, %get3A_22] : memref<1x1x512xf32, #tpu.memory_space<vmem>>, vector<1x1x512xf32>
    %get3A_24 = vector.shape_cast %get3A_23 : vector<1x1x512xf32> to vector<1x512xf32>
    %mul3A_25 = vector.broadcast %dot_general3A_10 : vector<8x1xf32> to vector<8x512xf32>
    %mul3A_26 = arith.mulf %convert_element_type3A_19, %mul3A_25 : vector<8x512xf32>
    %reduce_sum3A = arith.constant dense<0.000000e+00> : vector<512xf32>
    %reduce_sum3A_27 = vector.multi_reduction <add>, %mul3A_26, %reduce_sum3A [0] : vector<8x512xf32> to vector<512xf32>
    %broadcast_in_dim3A = vector.shape_cast %reduce_sum3A_27 : vector<512xf32> to vector<1x512xf32>
    %add3A_28 = arith.addf %get3A_24, %broadcast_in_dim3A : vector<1x512xf32>
    %convert_element_type3A_29 = arith.fptosi %add3A_28 : vector<1x512xf32> to vector<1x512xi32>
    %swap3A = arith.constant 0 : index
    %swap3A_30 = arith.constant 0 : index
    %swap3A_31 = arith.constant 0 : index
    %swap3A_32 = vector.load %arg4[%swap3A, %swap3A_30, %swap3A_31] : memref<1x1x512xi32, #tpu.memory_space<vmem>>, vector<1x1x512xi32>
    %swap3A_33 = vector.shape_cast %swap3A_32 : vector<1x1x512xi32> to vector<1x512xi32>
    %swap3A_34 = vector.shape_cast %convert_element_type3A_29 : vector<1x512xi32> to vector<1x1x512xi32>
    tpu.vector_store %arg4[%swap3A, %swap3A_30, %swap3A_31], %swap3A_34 {strides = array<i32>} : memref<1x1x512xi32, #tpu.memory_space<vmem>>, vector<1x1x512xi32>,
    %eq3A_35 = arith.constant 0 : i32
    %eq3A_36 = arith.cmpi eq, %arg0, %eq3A_35 : i32
    %convert_element_type3A_37 = arith.extui %eq3A_36 : i1 to i32
    %cond3A = arith.constant 0 : i32
    %cond3A_38 = arith.cmpi ne, %convert_element_type3A_37, %cond3A : i32
    scf.if %cond3A_38 {
      %iota3A_39 = tpu.iota {dimensions = array<i32: 1>} : vector<8x40xi32>
      %mul3A_40 = arith.constant 256 : i32
      %mul3A_41 = vector.broadcast %mul3A_40 : i32 to vector<8x40xi32>
      %mul3A_42 = arith.muli %iota3A_39, %mul3A_41 : vector<8x40xi32>
      %convert_element_type3A_43 = arith.sitofp %mul3A_42 : vector<8x40xi32> to vector<8x40xf32>
      %le3A = vector.broadcast %dot_general3A_10 : vector<8x1xf32> to vector<8x40xf32>
      %le3A_44 = arith.cmpf ole, %le3A, %convert_element_type3A_43 : vector<8x40xf32>
      %convert_element_type3A_45 = arith.extui %le3A_44 : vector<8x40xi1> to vector<8x40xi32>
      %reduce_sum3A_46 = arith.constant dense<0> : vector<40xi32>
      %reduce_sum3A_47 = vector.multi_reduction <add>, %convert_element_type3A_45, %reduce_sum3A_46 [0] : vector<8x40xi32> to vector<40xi32>
      %broadcast_in_dim3A_48 = vector.shape_cast %reduce_sum3A_47 : vector<40xi32> to vector<1x40xi32>
      %sub3A = arith.constant 1 : i32
      %sub3A_49 = vector.broadcast %sub3A : i32 to vector<1x40xi32>
      %sub3A_50 = arith.subi %broadcast_in_dim3A_48, %sub3A_49 : vector<1x40xi32>
      %swap3A_51 = arith.constant 0 : index
      %swap3A_52 = arith.constant 0 : index
      %swap3A_53 = vector.load %arg5[%swap3A_51, %swap3A_52] : memref<1x40xi32, #tpu.memory_space<vmem>>, vector<1x40xi32>
      tpu.vector_store %arg5[%swap3A_51, %swap3A_52], %sub3A_50 {strides = array<i32>} : memref<1x40xi32, #tpu.memory_space<vmem>>, vector<1x40xi32>,
    } else {
    }
    return
  }
  func.func @transform_0(%arg0: i32) -> (i32, i32, i32) {
    %c0_i32 = arith.constant 0 : i32
    %c0_i32_0 = arith.constant 0 : i32
    %c0_i32_1 = arith.constant 0 : i32
    return %arg0, %c0_i32, %c0_i32_0 : i32, i32, i32
  }
  func.func @transform_1(%arg0: i32) -> (i32, i32) {
    %c0_i32 = arith.constant 0 : i32
    %c0_i32_0 = arith.constant 0 : i32
    %c0_i32_1 = arith.constant 0 : i32
    return %c0_i32, %c0_i32_0 : i32, i32
  }
  func.func @transform_2(%arg0: i32) -> (i32, i32, i32) {
    %c0_i32 = arith.constant 0 : i32
    %c0_i32_0 = arith.constant 0 : i32
    %c0_i32_1 = arith.constant 0 : i32
    return %arg0, %c0_i32, %c0_i32_0 : i32, i32, i32
  }
  func.func @transform_3(%arg0: i32) -> (i32, i32, i32) {
    %c0_i32 = arith.constant 0 : i32
    %c0_i32_0 = arith.constant 0 : i32
    %c0_i32_1 = arith.constant 0 : i32
    return %arg0, %c0_i32, %c0_i32_0 : i32, i32, i32
  }
  func.func @transform_4(%arg0: i32) -> (i32, i32) {
    %c0_i32 = arith.constant 0 : i32
    %c0_i32_0 = arith.constant 0 : i32
    %c0_i32_1 = arith.constant 0 : i32
    return %c0_i32, %c0_i32_0 : i32, i32
  }
}

module attributes {stable_mosaic.version = 14 : i64} {
  func.func @_rank_body(%arg0: i32, %arg1: memref<1x1x512xi32, #tpu.memory_space<vmem>>, %arg2: memref<1x1x512xf32, #tpu.memory_space<vmem>>, %arg3: memref<8x128xf32, #tpu.memory_space<vmem>>, %arg4: memref<8x128xf32, #tpu.memory_space<vmem>>) attributes {dimension_semantics = [#tpu.dimension_semantics<arbitrary>], iteration_bounds = array<i64: 16>, scalar_prefetch = 0 : i64, scratch_operands = 1 : i64, tpu.core_type = #tpu.core_type<tc>, window_params = [{transform_indices = @transform_0, window_bounds = array<i64: 1, 1, 512>}, {transform_indices = @transform_1, window_bounds = array<i64: 1, 1, 512>}, {pipeline_mode = #tpu.pipeline_mode<synchronous>, transform_indices = @transform_2, window_bounds = array<i64: 8, 128>}]} {
    %eq3A = arith.constant 0 : i32
    %eq3A_0 = arith.cmpi eq, %arg0, %eq3A : i32
    %convert_element_type3A = arith.extui %eq3A_0 : i1 to i32
    %cond3A = arith.constant 0 : i32
    %cond3A_1 = arith.cmpi ne, %convert_element_type3A, %cond3A : i32
    scf.if %cond3A_1 {
      %broadcast_in_dim3A_39 = arith.constant 0.000000e+00 : f32
      %broadcast_in_dim3A_40 = vector.broadcast %broadcast_in_dim3A_39 : f32 to vector<8x128xf32>
      %swap3A_41 = arith.constant 0 : index
      %swap3A_42 = arith.constant 0 : index
      %swap3A_43 = vector.load %arg4[%swap3A_41, %swap3A_42] : memref<8x128xf32, #tpu.memory_space<vmem>>, vector<8x128xf32>
      tpu.vector_store %arg4[%swap3A_41, %swap3A_42], %broadcast_in_dim3A_40 {strides = array<i32>} : memref<8x128xf32, #tpu.memory_space<vmem>>, vector<8x128xf32>,
    } else {
    }
    %get3A = arith.constant 0 : index
    %get3A_2 = arith.constant 0 : index
    %get3A_3 = arith.constant 0 : index
    %get3A_4 = vector.load %arg1[%get3A, %get3A_2, %get3A_3] : memref<1x1x512xi32, #tpu.memory_space<vmem>>, vector<1x1x512xi32>
    %get3A_5 = vector.shape_cast %get3A_4 : vector<1x1x512xi32> to vector<1x512xi32>
    %iota3A = tpu.iota {dimensions = array<i32: 0>} : vector<8x512xi32>
    %eq3A_6 = vector.broadcast %get3A_5 : vector<1x512xi32> to vector<8x512xi32>
    %eq3A_7 = arith.cmpi eq, %eq3A_6, %iota3A : vector<8x512xi32>
    %convert_element_type3A_8 = arith.extui %eq3A_7 : vector<8x512xi1> to vector<8x512xi32>
    %convert_element_type3A_9 = arith.sitofp %convert_element_type3A_8 : vector<8x512xi32> to vector<8x512xf32>
    %iota3A_10 = tpu.iota {dimensions = array<i32: 0>} : vector<512x512xi32>
    %iota3A_11 = tpu.iota {dimensions = array<i32: 1>} : vector<512x512xi32>
    %lt3A = arith.cmpi slt, %iota3A_10, %iota3A_11 : vector<512x512xi32>
    %convert_element_type3A_12 = arith.extui %lt3A : vector<512x512xi1> to vector<512x512xi32>
    %convert_element_type3A_13 = arith.sitofp %convert_element_type3A_12 : vector<512x512xi32> to vector<512x512xf32>
    %dot_general3A = arith.constant dense<0.000000e+00> : vector<8x512xf32>
    %dot_general3A_14 = tpu.matmul %convert_element_type3A_9, %convert_element_type3A_13, %dot_general3A {dimension_numbers = #tpu.dot_dimension_numbers<[1], [0], [0], [1], [0, 0, 1, 1], [], []>, transpose_lhs_hint = false} : vector<8x512xf32>, vector<512x512xf32>, vector<8x512xf32> -> vector<8x512xf32>
    %get3A_15 = arith.constant 0 : index
    %get3A_16 = arith.constant 0 : index
    %get3A_17 = vector.load %arg4[%get3A_15, %get3A_16] : memref<8x128xf32, #tpu.memory_space<vmem>>, vector<8x1xf32>
    %add3A = vector.broadcast %get3A_17 : vector<8x1xf32> to vector<8x512xf32>
    %add3A_18 = arith.addf %dot_general3A_14, %add3A : vector<8x512xf32>
    %mul3A = arith.mulf %convert_element_type3A_9, %add3A_18 : vector<8x512xf32>
    %reduce_sum3A = arith.constant dense<0.000000e+00> : vector<512xf32>
    %reduce_sum3A_19 = vector.multi_reduction <add>, %mul3A, %reduce_sum3A [0] : vector<8x512xf32> to vector<512xf32>
    %broadcast_in_dim3A = vector.shape_cast %reduce_sum3A_19 : vector<512xf32> to vector<1x512xf32>
    %swap3A = arith.constant 0 : index
    %swap3A_20 = arith.constant 0 : index
    %swap3A_21 = arith.constant 0 : index
    %swap3A_22 = vector.load %arg2[%swap3A, %swap3A_20, %swap3A_21] : memref<1x1x512xf32, #tpu.memory_space<vmem>>, vector<1x1x512xf32>
    %swap3A_23 = vector.shape_cast %swap3A_22 : vector<1x1x512xf32> to vector<1x512xf32>
    %swap3A_24 = vector.shape_cast %broadcast_in_dim3A : vector<1x512xf32> to vector<1x1x512xf32>
    tpu.vector_store %arg2[%swap3A, %swap3A_20, %swap3A_21], %swap3A_24 {strides = array<i32>} : memref<1x1x512xf32, #tpu.memory_space<vmem>>, vector<1x1x512xf32>,
    %reduce_sum3A_25 = arith.constant dense<0.000000e+00> : vector<8xf32>
    %reduce_sum3A_26 = vector.multi_reduction <add>, %convert_element_type3A_9, %reduce_sum3A_25 [1] : vector<8x512xf32> to vector<8xf32>
    %broadcast_in_dim3A_27 = vector.shape_cast %reduce_sum3A_26 : vector<8xf32> to vector<8x1xf32>
    %add3A_28 = arith.addf %get3A_17, %broadcast_in_dim3A_27 : vector<8x1xf32>
    %broadcast_in_dim3A_29 = vector.shape_cast %add3A_28 : vector<8x1xf32> to vector<8x1xf32>
    %broadcast_in_dim3A_30 = vector.broadcast %broadcast_in_dim3A_29 : vector<8x1xf32> to vector<8x128xf32>
    %swap3A_31 = arith.constant 0 : index
    %swap3A_32 = arith.constant 0 : index
    %swap3A_33 = vector.load %arg4[%swap3A_31, %swap3A_32] : memref<8x128xf32, #tpu.memory_space<vmem>>, vector<8x128xf32>
    tpu.vector_store %arg4[%swap3A_31, %swap3A_32], %broadcast_in_dim3A_30 {strides = array<i32>} : memref<8x128xf32, #tpu.memory_space<vmem>>, vector<8x128xf32>,
    %eq3A_34 = arith.constant 15 : i32
    %eq3A_35 = arith.cmpi eq, %arg0, %eq3A_34 : i32
    %convert_element_type3A_36 = arith.extui %eq3A_35 : i1 to i32
    %cond3A_37 = arith.constant 0 : i32
    %cond3A_38 = arith.cmpi ne, %convert_element_type3A_36, %cond3A_37 : i32
    scf.if %cond3A_38 {
      %broadcast_in_dim3A_39 = vector.shape_cast %add3A_28 : vector<8x1xf32> to vector<8x1xf32>
      %broadcast_in_dim3A_40 = vector.broadcast %broadcast_in_dim3A_39 : vector<8x1xf32> to vector<8x128xf32>
      %swap3A_41 = arith.constant 0 : index
      %swap3A_42 = arith.constant 0 : index
      %swap3A_43 = vector.load %arg3[%swap3A_41, %swap3A_42] : memref<8x128xf32, #tpu.memory_space<vmem>>, vector<8x128xf32>
      tpu.vector_store %arg3[%swap3A_41, %swap3A_42], %broadcast_in_dim3A_40 {strides = array<i32>} : memref<8x128xf32, #tpu.memory_space<vmem>>, vector<8x128xf32>,
    } else {
    }
    return
  }
  func.func @transform_0(%arg0: i32) -> (i32, i32, i32) {
    %c0_i32 = arith.constant 0 : i32
    %c0_i32_0 = arith.constant 0 : i32
    %c0_i32_1 = arith.constant 0 : i32
    return %arg0, %c0_i32, %c0_i32_0 : i32, i32, i32
  }
  func.func @transform_1(%arg0: i32) -> (i32, i32, i32) {
    %c0_i32 = arith.constant 0 : i32
    %c0_i32_0 = arith.constant 0 : i32
    %c0_i32_1 = arith.constant 0 : i32
    return %arg0, %c0_i32, %c0_i32_0 : i32, i32, i32
  }
  func.func @transform_2(%arg0: i32) -> (i32, i32) {
    %c0_i32 = arith.constant 0 : i32
    %c0_i32_0 = arith.constant 0 : i32
    %c0_i32_1 = arith.constant 0 : i32
    return %c0_i32, %c0_i32_0 : i32, i32
  }
}

module attributes {stable_mosaic.version = 14 : i64} {
  func.func @_gmm_body(%arg0: i32, %arg1: memref<40xi32, #tpu.memory_space<smem>>, %arg2: memref<256x768xf32, #tpu.memory_space<vmem>>, %arg3: memref<8x768x768xf32, #tpu.memory_space<vmem>>, %arg4: memref<8x1x768xf32, #tpu.memory_space<vmem>>, %arg5: memref<256x768xf32, #tpu.memory_space<vmem>>) attributes {dimension_semantics = [#tpu.dimension_semantics<arbitrary>], iteration_bounds = array<i64: 40>, scalar_prefetch = 1 : i64, scratch_operands = 0 : i64, tpu.core_type = #tpu.core_type<tc>, window_params = [{transform_indices = @transform_0, window_bounds = array<i64: 256, 768>}, {pipeline_mode = #tpu.pipeline_mode<synchronous>, transform_indices = @transform_1, window_bounds = array<i64: 8, 768, 768>}, {pipeline_mode = #tpu.pipeline_mode<synchronous>, transform_indices = @transform_2, window_bounds = array<i64: 8, 1, 768>}, {transform_indices = @transform_3, window_bounds = array<i64: 256, 768>}]} {
    %get3A = arith.index_cast %arg0 : i32 to index
    %get3A_0 = memref.load %arg1[%get3A] : memref<40xi32, #tpu.memory_space<smem>>
    %get3A_1 = arith.constant 0 : index
    %get3A_2 = arith.constant 0 : index
    %get3A_3 = vector.load %arg2[%get3A_1, %get3A_2] : memref<256x768xf32, #tpu.memory_space<vmem>>, vector<256x768xf32>
    %get3A_4 = arith.index_cast %get3A_0 : i32 to index
    %get3A_5 = arith.constant 0 : index
    %get3A_6 = arith.constant 0 : index
    %get3A_7 = vector.load %arg3[%get3A_4, %get3A_5, %get3A_6] : memref<8x768x768xf32, #tpu.memory_space<vmem>>, vector<1x768x768xf32>
    %get3A_8 = vector.shape_cast %get3A_7 : vector<1x768x768xf32> to vector<768x768xf32>
    %dot_general3A = arith.constant dense<0.000000e+00> : vector<256x768xf32>
    %dot_general3A_9 = tpu.matmul %get3A_3, %get3A_8, %dot_general3A {dimension_numbers = #tpu.dot_dimension_numbers<[1], [1], [0], [0], [0, 0, 1, 0], [], []>, transpose_lhs_hint = false} : vector<256x768xf32>, vector<768x768xf32>, vector<256x768xf32> -> vector<256x768xf32>
    %get3A_10 = arith.index_cast %get3A_0 : i32 to index
    %get3A_11 = arith.constant 0 : index
    %get3A_12 = arith.constant 0 : index
    %get3A_13 = vector.load %arg4[%get3A_10, %get3A_11, %get3A_12] : memref<8x1x768xf32, #tpu.memory_space<vmem>>, vector<1x1x768xf32>
    %get3A_14 = vector.shape_cast %get3A_13 : vector<1x1x768xf32> to vector<1x768xf32>
    %add3A = vector.broadcast %get3A_14 : vector<1x768xf32> to vector<256x768xf32>
    %add3A_15 = arith.addf %dot_general3A_9, %add3A : vector<256x768xf32>
    %swap3A = arith.constant 0 : index
    %swap3A_16 = arith.constant 0 : index
    %swap3A_17 = vector.load %arg5[%swap3A, %swap3A_16] : memref<256x768xf32, #tpu.memory_space<vmem>>, vector<256x768xf32>
    tpu.vector_store %arg5[%swap3A, %swap3A_16], %add3A_15 {strides = array<i32>} : memref<256x768xf32, #tpu.memory_space<vmem>>, vector<256x768xf32>,
    return
  }
  func.func @transform_0(%arg0: i32, %arg1: memref<40xi32, #tpu.memory_space<smem>>) -> (i32, i32) {
    %c0_i32 = arith.constant 0 : i32
    %c0_i32_0 = arith.constant 0 : i32
    return %arg0, %c0_i32 : i32, i32
  }
  func.func @transform_1(%arg0: i32, %arg1: memref<40xi32, #tpu.memory_space<smem>>) -> (i32, i32, i32) {
    %c0_i32 = arith.constant 0 : i32
    %c0_i32_0 = arith.constant 0 : i32
    %c0_i32_1 = arith.constant 0 : i32
    %c0_i32_2 = arith.constant 0 : i32
    return %c0_i32, %c0_i32_0, %c0_i32_1 : i32, i32, i32
  }
  func.func @transform_2(%arg0: i32, %arg1: memref<40xi32, #tpu.memory_space<smem>>) -> (i32, i32, i32) {
    %c0_i32 = arith.constant 0 : i32
    %c0_i32_0 = arith.constant 0 : i32
    %c0_i32_1 = arith.constant 0 : i32
    %c0_i32_2 = arith.constant 0 : i32
    return %c0_i32, %c0_i32_0, %c0_i32_1 : i32, i32, i32
  }
  func.func @transform_3(%arg0: i32, %arg1: memref<40xi32, #tpu.memory_space<smem>>) -> (i32, i32) {
    %c0_i32 = arith.constant 0 : i32
    %c0_i32_0 = arith.constant 0 : i32
    return %arg0, %c0_i32 : i32, i32
  }
}

</mosaic_0001>

<sc_bundles>
// kernel: kernel.10.cloned.1.call-start
scs
__scs_entry_jumppad:
0x0: {  	(pc) =	sbr.rel $0x88, $3  }
0x1: {  	(tag) =	ssettag $0x0;
	lr =	simm.s32 $0x1  }
0x2: {  	[smem:$0x3F9D] =	sst lr;
	_ =	strace $0xD0000000  }
0x3: {  	_ = 	snop  }
0x4: {  	_ = 	snop  }
0x5: {  	_ = 	snop  }
0x6: {  	_ = 	snop  }
0x7: {  	_ = 	snop  }
__scs_overlays_trampoline_lowered:
0x8: {  	[smem:$0x3FAC] =	sst s0  }
0x9: {  	[smem:$0x3FAD] =	sst s1  }
0xa: {  	[smem:$0x3FAE] =	sst s2  }
0xb: {  	[smem:$0x3FAF] =	sst s3  }
0xc: {  	[smem:$0x3FB0] =	sst s4  }
0xd: {  	[smem:$0x3FB1] =	sst s5  }
0xe: {  	[smem:$0x3FB2] =	sst s6  }
0xf: {  	[smem:$0x3FB3] =	sst s7  }
0x10: {  	[smem:$0x3FB4] =	sst s8  }
0x11: {  	[smem:$0x3FB5] =	sst s9;
	s0 =	simm.s32 @!p0 $0x0  }
0x12: {  	s1 =	sld [smem:$0x3F9B];
	s0 =	simm.s32 @p0 $0x1  }
0x13: {  	[smem:$0x3FB6] =	sst s0;
	s0 =	simm.s32 @!p1 $0x0  }
0x14: {  	s2 =	sld [smem:$0x3F9A];
	s0 =	simm.s32 @p1 $0x1  }
0x15: {  	[smem:$0x3FB7] =	sst s0;
	s0 =	simm.s32 @!p2 $0x0  }
0x16: {  	s3 =	sld [smem:$0x3FDB];
	s0 =	simm.s32 @p2 $0x1  }
0x17: {  	s4 =	simm.s32 $0x1BF5;
	[smem:$0x3FB9] =	sst s0  }
0x18: {  	s0 =	sld [smem:$0x3F9C];
	_ =	swait.ge [sflag:s4], $0x0  }
0x19: {  	s7 =	sld [smem:$0x3F9D]  }
0x1a: {  	s8 =	sadd.s32 $0xFFFFE003, lr  }
0x1b: {  	s9 =	sadd.s32 $0xFFFFFEF7, lr;
	s5 =	simm.s32 $0xFFFFFFFF;
	p2 =	slt.u32 s8, $0xFFFFF086  }
0x1c: {  	p1 =	slt.u32 s9, $0xF7A;
	s5 =	simm.s32 @!p2 $0x0  }
0x1d: {  	s5 =	simm.s32 @p1 $0x1;
	p0 =	seq.s32 s7, s2  }
0x1e: {  	s7 =	smul.u32 @!p0 $0xF7A, s2;
	p2 =	seq.s32 @!p0 s5, $0x0  }
0x1f: {  	s9 =	smul.u32 $0xF7A, s1;
	s8 =	simm.s32 @!p0 $0x1BF5;
	p2 =	por !p2, p0  }
0x20: {  	[sflag:s8] =	ssyncset.s32 @!p0 $0xFFFFF086;
	s6 =	sadd.s32 @!p0 s3, s7;
	s7 =	simm.s32 @!p0 $0x108  }
0x21: {  	s3 =	sadd.s32 s3, s9;
	s6 =	sadd.s32 @!p0 $0x88, s6;
	s7 =	simm.s32 @p2 $0x1082  }
0x22: {  	[simem:s7], [sflag:s8] =	dma.local @!p0 [hbm:s6], $0xF7A  }
0x23: {  	s9 =	sor.u32 $0xD0000000, s2;
	s6 =	simm.s32 $0x108;
	_ =	swait.ge @!p0 [sflag:s8], $0x0  }
0x24: {  	s3 =	sadd.s32 $0x88, s3;
	s6 =	simm.s32 @!p1 $0x1082;
	[sflag:s4] =	ssyncset.s32 $0xFFFFF086  }
0x25: {  	[simem:s6], [sflag:s4] =	dma.local [hbm:s3], $0xF7A  }
0x26: {  	[smem:$0x3F9D] =	sst s1;
	(tag) =	ssettag s2;
	_ =	strace s9  }
0x27: {  	s1 =	sld [smem:$0x3FAD]  }
0x28: {  	s2 =	sld [smem:$0x3FAE]  }
0x29: {  	s4 =	sld [smem:$0x3FB0]  }
0x2a: {  	p0 =	seq.s32 s5, $0x0;
	s5 =	sld [smem:$0x3FB1]  }
0x2b: {  	s6 =	sld [smem:$0x3FB2]  }
0x2c: {  	s7 =	sld [smem:$0x3FB3]  }
0x2d: {  	s3 =	simm.s32 $0x108;
	s8 =	sld [smem:$0x3FB4]  }
0x2e: {  	s3 =	simm.s32 @!p0 $0x1082;
	s9 =	sld [smem:$0x3FB5]  }
0x2f: {  	lr =	sadd.s32 s0, s3;
	s0 =	sld [smem:$0x3FAC]  }
0x30: {  	s3 =	sld [smem:$0x3FAF]  }
0x31: {  	[smem:$0x3FB8] =	sst s10  }
0x32: {  	s10 =	sld [smem:$0x3FB6];
	_ =	sdelay $0x3  }
0x33: {  	p0 =	seq.s32 s10, $0x1;
	s10 =	sld [smem:$0x3FB8];
	_ =	sdelay $0x3  }
0x34: {  	[smem:$0x3FB8] =	sst s10  }
0x35: {  	s10 =	sld [smem:$0x3FB7];
	_ =	sdelay $0x3  }
0x36: {  	p1 =	seq.s32 s10, $0x1;
	s10 =	sld [smem:$0x3FB8];
	_ =	sdelay $0x3  }
0x37: {  	[smem:$0x3FB8] =	sst s10  }
0x38: {  	s10 =	sld [smem:$0x3FB9]  }
0x39: {  	_ = 	snop;
	(pc) =	sbr.ind lr, $3  }
0x3a: {  	_ = 	snop  }
0x3b: {  	_ = 	snop  }
0x3c: {  	p2 =	seq.s32 s10, $0x1;
	s10 =	sld [smem:$0x3FB8]  }
0x3d: {  	_ =	shalt  }
0x3e: {  	_ =	shalt  }
0x3f: {  	_ =	shalt  }
0x40: {  	_ =	shalt  }
0x41: {  	_ =	shalt  }
0x42: {  	_ =	shalt  }
0x43: {  	_ =	shalt  }
0x44: {  	_ =	shalt  }
0x45: {  	_ =	shalt  }
0x46: {  	_ =	shalt  }
0x47: {  	_ =	shalt  }
0x48: {  	_ =	shalt  }
0x49: {  	_ =	shalt  }
0x4a: {  	_ =	shalt  }
0x4b: {  	_ =	shalt  }
0x4c: {  	_ =	shalt  }
0x4d: {  	_ =	shalt  }
0x4e: {  	_ =	shalt  }
0x4f: {  	_ =	shalt  }
0x50: {  	_ =	shalt  }
0x51: {  	_ =	shalt  }
0x52: {  	_ =	shalt  }
0x53: {  	_ =	shalt  }
0x54: {  	_ =	shalt  }
0x55: {  	_ =	shalt  }
0x56: {  	_ =	shalt  }
0x57: {  	_ =	shalt  }
0x58: {  	_ =	shalt  }
0x59: {  	_ =	shalt  }
0x5a: {  	_ =	shalt  }
0x5b: {  	_ =	shalt  }
0x5c: {  	_ =	shalt  }
0x5d: {  	_ =	shalt  }
0x5e: {  	_ =	shalt  }
0x5f: {  	_ =	shalt  }
0x60: {  	_ =	shalt  }
0x61: {  	_ =	shalt  }
0x62: {  	_ =	shalt  }
0x63: {  	_ =	shalt  }
0x64: {  	_ =	shalt  }
0x65: {  	_ =	shalt  }
0x66: {  	_ =	shalt  }
0x67: {  	_ =	shalt  }
0x68: {  	_ =	shalt  }
0x69: {  	_ =	shalt  }
0x6a: {  	_ =	shalt  }
0x6b: {  	_ =	shalt  }
0x6c: {  	_ =	shalt  }
0x6d: {  	_ =	shalt  }
0x6e: {  	_ =	shalt  }
0x6f: {  	_ =	shalt  }
0x70: {  	_ =	shalt  }
0x71: {  	_ =	shalt  }
0x72: {  	_ =	shalt  }
0x73: {  	_ =	shalt  }
0x74: {  	_ =	shalt  }
0x75: {  	_ =	shalt  }
0x76: {  	_ =	shalt  }
0x77: {  	_ =	shalt  }
0x78: {  	_ =	shalt  }
0x79: {  	_ =	shalt  }
0x7a: {  	_ =	shalt  }
0x7b: {  	_ =	shalt  }
0x7c: {  	_ =	shalt  }
0x7d: {  	_ =	shalt  }
0x7e: {  	_ =	shalt  }
0x7f: {  	_ =	shalt  }
0x80: {  	_ =	shalt  }
0x81: {  	_ =	shalt  }
0x82: {  	_ =	shalt  }
0x83: {  	_ =	shalt  }
0x84: {  	_ =	shalt  }
0x85: {  	_ =	shalt  }
0x86: {  	_ =	shalt  }
0x87: {  	_ =	shalt  }
.Lfunc_end0:
.L_simem_size_0:
called_computation.1_lowered:
.L_overlay_start_0:
0x88: {  	s2 =	sld [smem:$0x3FD9]  }
0x89: {  	s3 =	sld [smem:$0x3FFE];
	_ =	sdelay $0x1  }
0x8a: {  	s1 =	srdreg.scid  }
0x8b: {  	s0 =	sand.u32 $0x1, s1  }
0x8c: {  	s17 =	sshll.u32 s0, $0xA;
	s2 =	sadd.s32 s3, s2  }
0x8d: {  	s2 =	sadd.s32 s2, s17  }
0x8e: {  	[smem:$0x3FC4] =	sst s2  }
0x8f: {  	_ = 	snop  }
0x90: {  	s2 =	sld [smem:$0x3FD0];
	(tm) =	ssettm $0x1  }
0x91: {  	s18 =	sld [smem:$0x3FFB];
	_ =	sdelay $0x3  }
0x92: {  	_ =	strace s18  }
0x93: {  	s3 =	sld [smem:$0x3FFC];
	_ =	sdelay $0x3  }
0x94: {  	_ =	strace s3  }
0x95: {  	s3 =	sld [smem:$0x3FFD];
	_ =	sdelay $0x3  }
0x96: {  	_ =	strace s3  }
0x97: {  	_ =	strace $0x8FFFFFFF  }
0x98: {  	s19 =	sld [smem:$0x3FDB];
	_ =	sdelay $0x1  }
0x99: {  	s4 =	simm.s32 $_scs_section_size  }
0x9a: {  	s5 =	simm.s32 $_size__tile_overlayer_lowered;
	s6 =	simm.s32 $_tile_overlayer_lowered  }
0x9b: {  	s22 =	simm.s32 $0x1BFF;
	s21 =	sshll.u32 s6, $0x1;
	s3 =	sadd.s32 s4, s19  }
0x9c: {  	s7 =	simm.s32 $0x0;
	s20 =	sshll.u32 s5, $0x1;
	s5 =	sadd.s32 s21, s3  }
0x9d: {  	[timem:s7], [sflag:s22] =	dma.local [hbm:s5], s20  }
0x9e: {  	_ =	swait.ge [sflag:s22], s20  }
0x9f: {  	s4 =	ssub.s32 $0x0, s20;
	[sflag:s22] =	ssyncset.done $0x0  }
0xa0: {  	[sflag:s22] =	ssyncadd.s32 s4;
	_ =	sdelay $0x1  }
0xa1: {  	s23 =	simm.s32 $0x1B8B  }
0xa2: {  	_ =	swait.ge [sflag:s23], $0x1  }
0xa3: {  	[sflag:s23] =	ssyncset.done $0x0  }
0xa4: {  	s25 =	simm.s32 $0x1B8E;
	s24 =	sld [smem:$0x3FFE];
	[sflag:s23] =	ssyncadd.s32 $0xFFFFFFFF  }
0xa5: {  	s26 =	simm.s32 $execute0_lowered;
	[smem:$0x3FD2] =	sst s25  }
0xa6: {  	s5 =	sshll.u32 s26, $0x1;
	_ =	strace $0x80000049;
	[dreg:$0x1] =	wrdreg $0xFFFFFFFF  }
0xa7: {  	s28 =	simm.s32 $_size_execute0_lowered;
	s3 =	sadd.s32 s3, s5;
	[dreg:$0x0] =	wrdreg $0x0  }
0xa8: {  	s5 =	sshll.u32 s28, $0x1;
	[dreg:$0x2] =	wrdreg s3  }
0xa9: {  	[dreg:$0x3] =	wrdreg s5  }
0xaa: {  	[dreg:$0x4] =	wrdreg $0xC0  }
0xab: {  	_ =	task [dreg:s7], $0x5FFFF  }
0xac: {  	[dreg:$0x1] =	wrdreg $0xFFFFFFFF  }
0xad: {  	[dreg:$0x0] =	wrdreg $0x60  }
0xae: {  	[dreg:$0x2] =	wrdreg s24  }
0xaf: {  	[dreg:$0x3] =	wrdreg s2  }
0xb0: {  	[dreg:$0x4] =	wrdreg $0x9  }
0xb1: {  	_ =	task.clear_ibuf [dreg:s7], $0x5FFFF;
	_ =	strace $0x90000049  }
0xb2: {  	s29 =	simm.s32 $0x9;
	_ =	strace $0x8000004B  }
0xb3: {  	_ =	swait.ge [sflag:s29], $0x1  }
0xb4: {  	[sflag:s29] =	ssyncadd.s32 $0xFFFFFFFF  }
0xb5: {  	_ =	strace $0x9000004B  }
0xb6: {  	_ =	sfence  }
0xb7: {  	s30 =	sld [smem:$0x0];
	_ =	sdelay $0x2  }
0xb8: {  	s31 =	sshll.u32 s1, $0xD;
	s1 =	sshrl.u32 s1, $0x2  }
0xb9: {  	s3 =	sand.u32 $0x4000, s31;
	s1 =	sadd.s32 s1, s30  }
0xba: {  	s0 =	sor.u32 s3, s0;
	s1 =	sshll.u32 s1, $0x11  }
0xbb: {  	s0 =	sor.u32 s1, s0  }
0xbc: {  	s0 =	sadd.s32 $0x8F2B, s0  }
0xbd: {  	[sflag:s0] =	ssyncadd.remote.s32 $0x1  }
0xbe: {  	_ =	sfence.sel $0xFFFF  }
0xbf: {  	[dreg:$0x0] =	wrdreg $0xFFFFFFFF;
	(pc) =	sbr.abs _section_cstart, $3  }
0xc0: {  	[dreg:$0x1] =	wrdreg $0xFFFFFFFF  }
0xc1: {  	_ =	task.clear_ibuf [dreg:s7], $0x2FFFF;
	_ =	strace $0x9FFFFFFF  }
0xc2: {  	(tm) =	ssettm $0x7FFFFFFF  }
0xc3: {  	_ =	shalt  }
tec
execute0_lowered:
.L_overlay_start_1:
0x0: {  	(tag) =	ssettag $0x1  }
0x1: {  	s0 =	rddreg [dreg:$0x0]  }
0x2: {  	s1 =	rddreg [dreg:$0x1]  }
0x3: {  	s2 =	srdreg.scid;
	s3 =	stileid.u32  }
0x4: {  	s17 =	simm.s32 $0x3;
	s5 =	sand.u32 $0x1, s2;
	s2 =	simm.s32 $0x0  }
0x5: {  	s3 =	sshll.u32 s3, $0x5;
	s7 =	sadd.s32 $0x1100, s0;
	s8 =	sadd.s32 $0x1200, s0  }
0x6: {  	s4 =	sshll.u32 s5, $0x4;
	[smem:$0x7FF] =	sst s2;
	s5 =	ssub.s32 $0x2, s5  }
0x7: {  	s6 =	sor.u32 s4, s3;
	_ =	strace $0x8000004A;
	s3 =	sadd.s32 $0xF1400, s0  }
0x8: {  	s4 =	sadd.s32 $0x1000, s0;
	s9 =	sadd.s32 s6, s0;
	s1 =	sadd.s32 s1, s6  }
0x9: {  	s28 =	sshrl.u32 s5, $0x1;
	[dreg:$0x3] =	wrdreg s1;
	s29 =	sadd.s32 $0xF1000, s9  }
0xa: {  	v2 =	vlaneseq.u32;
	s10 =	ssub.s32 s5, s28;
	s30 =	sadd.s32 $0xE00, s9;
	[dreg:$0x4] =	wrdreg s29  }
0xb: {  	vm0 =	vmmov $0xffff;
	v1 =	vshrl.u32 v2, $0x3;
	s5 =	sadd.s32 $0xF1500, s0;
	s31 =	sadd.s32 $0xF1200, s9;
	[dreg:$0x5] =	wrdreg s30  }
0xc: {  	v0 =	vand.u32 $0x7, v2;
	v2 =	vor.u32 $0x8, v2;
	v1 =	vmul.u32 $0x8, v1;
	s6 =	sadd.s32 $0xF1600, s0;
	s9 =	smax.u32 s10, $0x1;
	[dreg:$0x6] =	wrdreg s31  }
.LBB2_1:
0xd: {  	s18 =	rddreg [dreg:$0x3];
	s0 =	simm.s32 $0x18000  }
0xe: {  	[tilespmem:s0], [sflag:$0x3] =	stream.linear.gather [hbm4b:s18+s2], $0x80, $0x38;
	[tilespmem:$0x18100] =	vst v63  }
0xf: {  	_ =	swait.ge [sflag:s17], $0x80  }
0x10: {  	[sflag:s17] =	ssyncset.done $0x0  }
0x11: {  	s12 =	simm.s32 $0x18080;
	s11 =	rddreg [dreg:$0x4];
	[sflag:s17] =	ssyncadd.s32 $0xFFFFFF80  }
0x12: {  	[tilespmem:s12], [sflag:$0x3] =	stream.linear.gather [hbm4b:s11+s2], $0x80, $0x38;
	[tilespmem:$0x18100] =	vst v63  }
0x13: {  	_ =	swait.ge [sflag:s17], $0x80  }
0x14: {  	[sflag:s17] =	ssyncset.done $0x0  }
0x15: {  	[sflag:s17] =	ssyncadd.s32 $0xFFFFFF80  }
0x16: {  	v3 =	vld [tilespmem:$0x18000];
	_ =	sdelay $0x4  }
0x17: {  	v4 =	vshrl.u32 v3, $0x3  }
0x18: {  	v4 =	vmul.u32 $0x30, v4  }
0x19: {  	v3 =	vand.u32 $0x7, v3  }
0x1a: {  	v3 =	vor.u32 v3, v4  }
0x1b: {  	v4 =	vperm.xlane v3, v0;
	_ =	sdelay $0x1  }
0x1c: {  	v4 =	vadd.s32 v1, v4;
	_ =	sdelay $0x3  }
0x1d: {  	v3 =	vperm.xlane v3, v2  }
0x1e: {  	[tilespmem:s2], [sflag:$0x1] =	stream.indirect_vreg.gather [hbm4b:s3+s2], $0x80, v4, vm0, $0xb8;
	[tilespmem:$0x18100] =	vst v63  }
0x1f: {  	s13 =	simm.s32 $0x800;
	v3 =	vadd.s32 v1, v3  }
0x20: {  	[tilespmem:s13], [sflag:$0x1] =	stream.indirect_vreg.gather [hbm4b:s5+s2], $0x80, v4, vm0, $0xb8;
	[tilespmem:$0x18100] =	vst v63  }
0x21: {  	s14 =	simm.s32 $0x1000  }
0x22: {  	[tilespmem:s14], [sflag:$0x1] =	stream.indirect_vreg.gather [hbm4b:s6+s2], $0x80, v4, vm0, $0xb8;
	[tilespmem:$0x18100] =	vst v63  }
0x23: {  	s15 =	simm.s32 $0x1800  }
0x24: {  	[tilespmem:s15], [sflag:$0x1] =	stream.indirect_vreg.gather [hbm4b:s3+s2], $0x80, v3, vm0, $0xb8;
	[tilespmem:$0x18100] =	vst v63  }
0x25: {  	s16 =	simm.s32 $0x2000  }
0x26: {  	[tilespmem:s16], [sflag:$0x1] =	stream.indirect_vreg.gather [hbm4b:s5+s2], $0x80, v3, vm0, $0xb8;
	[tilespmem:$0x18100] =	vst v63  }
0x27: {  	s18 =	simm.s32 $0x2800  }
0x28: {  	[tilespmem:s18], [sflag:$0x1] =	stream.indirect_vreg.gather [hbm4b:s6+s2], $0x80, v3, vm0, $0xb8;
	[tilespmem:$0x18100] =	vst v63  }
0x29: {  	v3 =	vld [tilespmem:$0x18010];
	_ =	sdelay $0x4  }
0x2a: {  	v33 =	vshrl.u32 v3, $0x3  }
0x2b: {  	v4 =	vmul.u32 $0x30, v33  }
0x2c: {  	v3 =	vand.u32 $0x7, v3  }
0x2d: {  	v3 =	vor.u32 v3, v4  }
0x2e: {  	v4 =	vperm.xlane v3, v0;
	_ =	sdelay $0x1  }
0x2f: {  	v4 =	vadd.s32 v1, v4;
	_ =	sdelay $0x3  }
0x30: {  	s19 =	simm.s32 $0x3000;
	v3 =	vperm.xlane v3, v2  }
0x31: {  	[tilespmem:s19], [sflag:$0x1] =	stream.indirect_vreg.gather [hbm4b:s3+s2], $0x80, v4, vm0, $0xb8;
	[tilespmem:$0x18100] =	vst v63  }
0x32: {  	s20 =	simm.s32 $0x3800;
	v3 =	vadd.s32 v1, v3  }
0x33: {  	[tilespmem:s20], [sflag:$0x1] =	stream.indirect_vreg.gather [hbm4b:s5+s2], $0x80, v4, vm0, $0xb8;
	[tilespmem:$0x18100] =	vst v63  }
0x34: {  	s21 =	simm.s32 $0x4000  }
0x35: {  	[tilespmem:s21], [sflag:$0x1] =	stream.indirect_vreg.gather [hbm4b:s6+s2], $0x80, v4, vm0, $0xb8;
	[tilespmem:$0x18100] =	vst v63  }
0x36: {  	s24 =	simm.s32 $0x4800  }
0x37: {  	[tilespmem:s24], [sflag:$0x1] =	stream.indirect_vreg.gather [hbm4b:s3+s2], $0x80, v3, vm0, $0xb8;
	[tilespmem:$0x18100] =	vst v63  }
0x38: {  	s25 =	simm.s32 $0x5000  }
0x39: {  	[tilespmem:s25], [sflag:$0x1] =	stream.indirect_vreg.gather [hbm4b:s5+s2], $0x80, v3, vm0, $0xb8;
	[tilespmem:$0x18100] =	vst v63  }
0x3a: {  	s26 =	simm.s32 $0x5800  }
0x3b: {  	[tilespmem:s26], [sflag:$0x1] =	stream.indirect_vreg.gather [hbm4b:s6+s2], $0x80, v3, vm0, $0xb8;
	[tilespmem:$0x18100] =	vst v63  }
0x3c: {  	v3 =	vld [tilespmem:$0x18020];
	_ =	sdelay $0x4  }
0x3d: {  	v34 =	vshrl.u32 v3, $0x3  }
0x3e: {  	v4 =	vmul.u32 $0x30, v34  }
0x3f: {  	v3 =	vand.u32 $0x7, v3  }
0x40: {  	v3 =	vor.u32 v3, v4  }
0x41: {  	v4 =	vperm.xlane v3, v0;
	_ =	sdelay $0x1  }
0x42: {  	v4 =	vadd.s32 v1, v4;
	_ =	sdelay $0x3  }
0x43: {  	s28 =	simm.s32 $0x6000;
	v3 =	vperm.xlane v3, v2  }
0x44: {  	[tilespmem:s28], [sflag:$0x1] =	stream.indirect_vreg.gather [hbm4b:s3+s2], $0x80, v4, vm0, $0xb8;
	[tilespmem:$0x18100] =	vst v63  }
0x45: {  	s29 =	simm.s32 $0x6800;
	v3 =	vadd.s32 v1, v3  }
0x46: {  	[tilespmem:s29], [sflag:$0x1] =	stream.indirect_vreg.gather [hbm4b:s5+s2], $0x80, v4, vm0, $0xb8;
	[tilespmem:$0x18100] =	vst v63  }
0x47: {  	s30 =	simm.s32 $0x7000  }
0x48: {  	[tilespmem:s30], [sflag:$0x1] =	stream.indirect_vreg.gather [hbm4b:s6+s2], $0x80, v4, vm0, $0xb8;
	[tilespmem:$0x18100] =	vst v63  }
0x49: {  	s31 =	simm.s32 $0x7800  }
0x4a: {  	[tilespmem:s31], [sflag:$0x1] =	stream.indirect_vreg.gather [hbm4b:s3+s2], $0x80, v3, vm0, $0xb8;
	[tilespmem:$0x18100] =	vst v63  }
0x4b: {  	s11 =	simm.s32 $0x8000  }
0x4c: {  	[tilespmem:s11], [sflag:$0x1] =	stream.indirect_vreg.gather [hbm4b:s5+s2], $0x80, v3, vm0, $0xb8;
	[tilespmem:$0x18100] =	vst v63  }
0x4d: {  	s12 =	simm.s32 $0x8800  }
0x4e: {  	[tilespmem:s12], [sflag:$0x1] =	stream.indirect_vreg.gather [hbm4b:s6+s2], $0x80, v3, vm0, $0xb8;
	[tilespmem:$0x18100] =	vst v63  }
0x4f: {  	v3 =	vld [tilespmem:$0x18030];
	_ =	sdelay $0x4  }
0x50: {  	v35 =	vshrl.u32 v3, $0x3  }
0x51: {  	v4 =	vmul.u32 $0x30, v35  }
0x52: {  	v3 =	vand.u32 $0x7, v3  }
0x53: {  	v3 =	vor.u32 v3, v4  }
0x54: {  	v4 =	vperm.xlane v3, v0;
	_ =	sdelay $0x1  }
0x55: {  	v4 =	vadd.s32 v1, v4;
	_ =	sdelay $0x3  }
0x56: {  	s13 =	simm.s32 $0x9000;
	v3 =	vperm.xlane v3, v2  }
0x57: {  	[tilespmem:s13], [sflag:$0x1] =	stream.indirect_vreg.gather [hbm4b:s3+s2], $0x80, v4, vm0, $0xb8;
	[tilespmem:$0x18100] =	vst v63  }
0x58: {  	s14 =	simm.s32 $0x9800;
	v3 =	vadd.s32 v1, v3  }
0x59: {  	[tilespmem:s14], [sflag:$0x1] =	stream.indirect_vreg.gather [hbm4b:s5+s2], $0x80, v4, vm0, $0xb8;
	[tilespmem:$0x18100] =	vst v63  }
0x5a: {  	s15 =	simm.s32 $0xA000  }
0x5b: {  	[tilespmem:s15], [sflag:$0x1] =	stream.indirect_vreg.gather [hbm4b:s6+s2], $0x80, v4, vm0, $0xb8;
	[tilespmem:$0x18100] =	vst v63  }
0x5c: {  	s16 =	simm.s32 $0xA800  }
0x5d: {  	[tilespmem:s16], [sflag:$0x1] =	stream.indirect_vreg.gather [hbm4b:s3+s2], $0x80, v3, vm0, $0xb8;
	[tilespmem:$0x18100] =	vst v63  }
0x5e: {  	s18 =	simm.s32 $0xB000  }
0x5f: {  	[tilespmem:s18], [sflag:$0x1] =	stream.indirect_vreg.gather [hbm4b:s5+s2], $0x80, v3, vm0, $0xb8;
	[tilespmem:$0x18100] =	vst v63  }
0x60: {  	s19 =	simm.s32 $0xB800  }
0x61: {  	[tilespmem:s19], [sflag:$0x1] =	stream.indirect_vreg.gather [hbm4b:s6+s2], $0x80, v3, vm0, $0xb8;
	[tilespmem:$0x18100] =	vst v63  }
0x62: {  	v3 =	vld [tilespmem:$0x18040];
	_ =	sdelay $0x4  }
0x63: {  	v36 =	vshrl.u32 v3, $0x3  }
0x64: {  	v4 =	vmul.u32 $0x30, v36  }
0x65: {  	v3 =	vand.u32 $0x7, v3  }
0x66: {  	v3 =	vor.u32 v3, v4  }
0x67: {  	v4 =	vperm.xlane v3, v0;
	_ =	sdelay $0x1  }
0x68: {  	v4 =	vadd.s32 v1, v4;
	_ =	sdelay $0x3  }
0x69: {  	s24 =	simm.s32 $0xC000;
	v3 =	vperm.xlane v3, v2  }
0x6a: {  	[tilespmem:s24], [sflag:$0x1] =	stream.indirect_vreg.gather [hbm4b:s3+s2], $0x80, v4, vm0, $0xb8;
	[tilespmem:$0x18100] =	vst v63  }
0x6b: {  	s25 =	simm.s32 $0xC800;
	v3 =	vadd.s32 v1, v3  }
0x6c: {  	[tilespmem:s25], [sflag:$0x1] =	stream.indirect_vreg.gather [hbm4b:s5+s2], $0x80, v4, vm0, $0xb8;
	[tilespmem:$0x18100] =	vst v63  }
0x6d: {  	s26 =	simm.s32 $0xD000  }
0x6e: {  	[tilespmem:s26], [sflag:$0x1] =	stream.indirect_vreg.gather [hbm4b:s6+s2], $0x80, v4, vm0, $0xb8;
	[tilespmem:$0x18100] =	vst v63  }
0x6f: {  	s28 =	simm.s32 $0xD800  }
0x70: {  	[tilespmem:s28], [sflag:$0x1] =	stream.indirect_vreg.gather [hbm4b:s3+s2], $0x80, v3, vm0, $0xb8;
	[tilespmem:$0x18100] =	vst v63  }
0x71: {  	s13 =	simm.s32 $0xE000  }
0x72: {  	[tilespmem:s13], [sflag:$0x1] =	stream.indirect_vreg.gather [hbm4b:s5+s2], $0x80, v3, vm0, $0xb8;
	[tilespmem:$0x18100] =	vst v63  }
0x73: {  	s14 =	simm.s32 $0xE800  }
0x74: {  	[tilespmem:s14], [sflag:$0x1] =	stream.indirect_vreg.gather [hbm4b:s6+s2], $0x80, v3, vm0, $0xb8;
	[tilespmem:$0x18100] =	vst v63  }
0x75: {  	v3 =	vld [tilespmem:$0x18050];
	_ =	sdelay $0x4  }
0x76: {  	v37 =	vshrl.u32 v3, $0x3  }
0x77: {  	v4 =	vmul.u32 $0x30, v37  }
0x78: {  	v3 =	vand.u32 $0x7, v3  }
0x79: {  	v3 =	vor.u32 v3, v4  }
0x7a: {  	v4 =	vperm.xlane v3, v0;
	_ =	sdelay $0x1  }
0x7b: {  	v4 =	vadd.s32 v1, v4;
	_ =	sdelay $0x3  }
0x7c: {  	s15 =	simm.s32 $0xF000;
	v3 =	vperm.xlane v3, v2  }
0x7d: {  	[tilespmem:s15], [sflag:$0x1] =	stream.indirect_vreg.gather [hbm4b:s3+s2], $0x80, v4, vm0, $0xb8;
	[tilespmem:$0x18100] =	vst v63  }
0x7e: {  	s16 =	simm.s32 $0xF800;
	v3 =	vadd.s32 v1, v3  }
0x7f: {  	[tilespmem:s16], [sflag:$0x1] =	stream.indirect_vreg.gather [hbm4b:s5+s2], $0x80, v4, vm0, $0xb8;
	[tilespmem:$0x18100] =	vst v63  }
0x80: {  	s18 =	simm.s32 $0x10000  }
0x81: {  	[tilespmem:s18], [sflag:$0x1] =	stream.indirect_vreg.gather [hbm4b:s6+s2], $0x80, v4, vm0, $0xb8;
	[tilespmem:$0x18100] =	vst v63  }
0x82: {  	s19 =	simm.s32 $0x10800  }
0x83: {  	[tilespmem:s19], [sflag:$0x1] =	stream.indirect_vreg.gather [hbm4b:s3+s2], $0x80, v3, vm0, $0xb8;
	[tilespmem:$0x18100] =	vst v63  }
0x84: {  	s24 =	simm.s32 $0x11000  }
0x85: {  	[tilespmem:s24], [sflag:$0x1] =	stream.indirect_vreg.gather [hbm4b:s5+s2], $0x80, v3, vm0, $0xb8;
	[tilespmem:$0x18100] =	vst v63  }
0x86: {  	s25 =	simm.s32 $0x11800  }
0x87: {  	[tilespmem:s25], [sflag:$0x1] =	stream.indirect_vreg.gather [hbm4b:s6+s2], $0x80, v3, vm0, $0xb8;
	[tilespmem:$0x18100] =	vst v63  }
0x88: {  	v3 =	vld [tilespmem:$0x18060];
	_ =	sdelay $0x4  }
0x89: {  	v38 =	vshrl.u32 v3, $0x3  }
0x8a: {  	v4 =	vmul.u32 $0x30, v38  }
0x8b: {  	v3 =	vand.u32 $0x7, v3  }
0x8c: {  	v3 =	vor.u32 v3, v4  }
0x8d: {  	v4 =	vperm.xlane v3, v0;
	_ =	sdelay $0x1  }
0x8e: {  	v4 =	vadd.s32 v1, v4;
	_ =	sdelay $0x3  }
0x8f: {  	s26 =	simm.s32 $0x12000;
	v3 =	vperm.xlane v3, v2  }
0x90: {  	[tilespmem:s26], [sflag:$0x1] =	stream.indirect_vreg.gather [hbm4b:s3+s2], $0x80, v4, vm0, $0xb8;
	[tilespmem:$0x18100] =	vst v63  }
0x91: {  	s28 =	simm.s32 $0x12800;
	v3 =	vadd.s32 v1, v3  }
0x92: {  	[tilespmem:s28], [sflag:$0x1] =	stream.indirect_vreg.gather [hbm4b:s5+s2], $0x80, v4, vm0, $0xb8;
	[tilespmem:$0x18100] =	vst v63  }
0x93: {  	s18 =	simm.s32 $0x13000  }
0x94: {  	[tilespmem:s18], [sflag:$0x1] =	stream.indirect_vreg.gather [hbm4b:s6+s2], $0x80, v4, vm0, $0xb8;
	[tilespmem:$0x18100] =	vst v63  }
0x95: {  	s19 =	simm.s32 $0x13800  }
0x96: {  	[tilespmem:s19], [sflag:$0x1] =	stream.indirect_vreg.gather [hbm4b:s3+s2], $0x80, v3, vm0, $0xb8;
	[tilespmem:$0x18100] =	vst v63  }
0x97: {  	s24 =	simm.s32 $0x14000  }
0x98: {  	[tilespmem:s24], [sflag:$0x1] =	stream.indirect_vreg.gather [hbm4b:s5+s2], $0x80, v3, vm0, $0xb8;
	[tilespmem:$0x18100] =	vst v63  }
0x99: {  	s25 =	simm.s32 $0x14800  }
0x9a: {  	[tilespmem:s25], [sflag:$0x1] =	stream.indirect_vreg.gather [hbm4b:s6+s2], $0x80, v3, vm0, $0xb8;
	[tilespmem:$0x18100] =	vst v63  }
0x9b: {  	v3 =	vld [tilespmem:$0x18070];
	_ =	sdelay $0x4  }
0x9c: {  	v39 =	vshrl.u32 v3, $0x3  }
0x9d: {  	v4 =	vmul.u32 $0x30, v39  }
0x9e: {  	v3 =	vand.u32 $0x7, v3  }
0x9f: {  	v3 =	vor.u32 v3, v4  }
0xa0: {  	v4 =	vperm.xlane v3, v0;
	_ =	sdelay $0x1  }
0xa1: {  	v4 =	vadd.s32 v1, v4;
	_ =	sdelay $0x3  }
0xa2: {  	s26 =	simm.s32 $0x15000;
	v3 =	vperm.xlane v3, v2  }
0xa3: {  	[tilespmem:s26], [sflag:$0x1] =	stream.indirect_vreg.gather [hbm4b:s3+s2], $0x80, v4, vm0, $0xb8;
	[tilespmem:$0x18100] =	vst v63  }
0xa4: {  	s28 =	simm.s32 $0x15800;
	v3 =	vadd.s32 v1, v3  }
0xa5: {  	[tilespmem:s28], [sflag:$0x1] =	stream.indirect_vreg.gather [hbm4b:s5+s2], $0x80, v4, vm0, $0xb8;
	[tilespmem:$0x18100] =	vst v63  }
0xa6: {  	s24 =	simm.s32 $0x16000  }
0xa7: {  	[tilespmem:s24], [sflag:$0x1] =	stream.indirect_vreg.gather [hbm4b:s6+s2], $0x80, v4, vm0, $0xb8;
	[tilespmem:$0x18100] =	vst v63  }
0xa8: {  	s25 =	simm.s32 $0x16800  }
0xa9: {  	[tilespmem:s25], [sflag:$0x1] =	stream.indirect_vreg.gather [hbm4b:s3+s2], $0x80, v3, vm0, $0xb8;
	[tilespmem:$0x18100] =	vst v63  }
0xaa: {  	s26 =	simm.s32 $0x17000  }
0xab: {  	[tilespmem:s26], [sflag:$0x1] =	stream.indirect_vreg.gather [hbm4b:s5+s2], $0x80, v3, vm0, $0xb8;
	[tilespmem:$0x18100] =	vst v63  }
0xac: {  	s0 =	simm.s32 $0x1;
	s28 =	simm.s32 $0x17800  }
0xad: {  	[tilespmem:s28], [sflag:$0x1] =	stream.indirect_vreg.gather [hbm4b:s6+s2], $0x80, v3, vm0, $0xb8;
	[tilespmem:$0x18100] =	vst v63  }
0xae: {  	_ =	swait.ge [sflag:s0], $0x18000  }
0xaf: {  	[sflag:s0] =	ssyncset.done $0x0  }
0xb0: {  	[sflag:s0] =	ssyncadd.s32 $0xFFFE8000  }
0xb1: {  	v3 =	vld [tilespmem:$0x18080];
	_ =	sdelay $0x4  }
0xb2: {  	v40 =	vshrl.u32 v3, $0x3  }
0xb3: {  	v4 =	vmul.u32 $0x30, v40  }
0xb4: {  	v3 =	vand.u32 $0x7, v3  }
0xb5: {  	v3 =	vor.u32 v3, v4  }
0xb6: {  	v4 =	vperm.xlane v3, v0;
	_ =	sdelay $0x1  }
0xb7: {  	v4 =	vadd.s32 v1, v4;
	_ =	sdelay $0x3  }
0xb8: {  	v3 =	vperm.xlane v3, v2  }
0xb9: {  	[hbm4b:s4+s2] =	stream.indirect_vreg.scatter [tilespmem:s2], [sflag:$0x2], $0x80, v4, vm0, $0xb8;
	[tilespmem:$0x18100] =	vst v63  }
0xba: {  	s24 =	simm.s32 $0x800;
	v3 =	vadd.s32 v1, v3  }
0xbb: {  	[hbm4b:s7+s2] =	stream.indirect_vreg.scatter [tilespmem:s24], [sflag:$0x2], $0x80, v4, vm0, $0xb8;
	[tilespmem:$0x18100] =	vst v63  }
0xbc: {  	s24 =	simm.s32 $0x1000  }
0xbd: {  	[hbm4b:s8+s2] =	stream.indirect_vreg.scatter [tilespmem:s24], [sflag:$0x2], $0x80, v4, vm0, $0xb8;
	[tilespmem:$0x18100] =	vst v63  }
0xbe: {  	s24 =	simm.s32 $0x1800  }
0xbf: {  	[hbm4b:s4+s2] =	stream.indirect_vreg.scatter [tilespmem:s24], [sflag:$0x2], $0x80, v3, vm0, $0xb8;
	[tilespmem:$0x18100] =	vst v63  }
0xc0: {  	s24 =	simm.s32 $0x2000  }
0xc1: {  	[hbm4b:s7+s2] =	stream.indirect_vreg.scatter [tilespmem:s24], [sflag:$0x2], $0x80, v3, vm0, $0xb8;
	[tilespmem:$0x18100] =	vst v63  }
0xc2: {  	s22 =	simm.s32 $0x2800  }
0xc3: {  	[hbm4b:s8+s2] =	stream.indirect_vreg.scatter [tilespmem:s22], [sflag:$0x2], $0x80, v3, vm0, $0xb8;
	[tilespmem:$0x18100] =	vst v63  }
0xc4: {  	v3 =	vld [tilespmem:$0x18090];
	_ =	sdelay $0x4  }
0xc5: {  	v41 =	vshrl.u32 v3, $0x3  }
0xc6: {  	v4 =	vmul.u32 $0x30, v41  }
0xc7: {  	v3 =	vand.u32 $0x7, v3  }
0xc8: {  	v3 =	vor.u32 v3, v4  }
0xc9: {  	v4 =	vperm.xlane v3, v0;
	_ =	sdelay $0x1  }
0xca: {  	v4 =	vadd.s32 v1, v4;
	_ =	sdelay $0x3  }
0xcb: {  	s23 =	simm.s32 $0x3000;
	v3 =	vperm.xlane v3, v2  }
0xcc: {  	[hbm4b:s4+s2] =	stream.indirect_vreg.scatter [tilespmem:s23], [sflag:$0x2], $0x80, v4, vm0, $0xb8;
	[tilespmem:$0x18100] =	vst v63  }
0xcd: {  	v3 =	vadd.s32 v1, v3;
	s23 =	simm.s32 $0x3800  }
0xce: {  	[hbm4b:s7+s2] =	stream.indirect_vreg.scatter [tilespmem:s23], [sflag:$0x2], $0x80, v4, vm0, $0xb8;
	[tilespmem:$0x18100] =	vst v63  }
0xcf: {  	s24 =	simm.s32 $0x4000  }
0xd0: {  	[hbm4b:s8+s2] =	stream.indirect_vreg.scatter [tilespmem:s24], [sflag:$0x2], $0x80, v4, vm0, $0xb8;
	[tilespmem:$0x18100] =	vst v63  }
0xd1: {  	s23 =	simm.s32 $0x4800  }
0xd2: {  	[hbm4b:s4+s2] =	stream.indirect_vreg.scatter [tilespmem:s23], [sflag:$0x2], $0x80, v3, vm0, $0xb8;
	[tilespmem:$0x18100] =	vst v63  }
0xd3: {  	s24 =	simm.s32 $0x5000  }
0xd4: {  	[hbm4b:s7+s2] =	stream.indirect_vreg.scatter [tilespmem:s24], [sflag:$0x2], $0x80, v3, vm0, $0xb8;
	[tilespmem:$0x18100] =	vst v63  }
0xd5: {  	s1 =	simm.s32 $0x5800  }
0xd6: {  	[hbm4b:s8+s2] =	stream.indirect_vreg.scatter [tilespmem:s1], [sflag:$0x2], $0x80, v3, vm0, $0xb8;
	[tilespmem:$0x18100] =	vst v63  }
0xd7: {  	v3 =	vld [tilespmem:$0x180A0];
	_ =	sdelay $0x4  }
0xd8: {  	v42 =	vshrl.u32 v3, $0x3  }
0xd9: {  	v4 =	vmul.u32 $0x30, v42  }
0xda: {  	v3 =	vand.u32 $0x7, v3  }
0xdb: {  	v3 =	vor.u32 v3, v4  }
0xdc: {  	v4 =	vperm.xlane v3, v0;
	_ =	sdelay $0x1  }
0xdd: {  	v4 =	vadd.s32 v1, v4;
	_ =	sdelay $0x3  }
0xde: {  	s10 =	simm.s32 $0x6000;
	v3 =	vperm.xlane v3, v2  }
0xdf: {  	[hbm4b:s4+s2] =	stream.indirect_vreg.scatter [tilespmem:s10], [sflag:$0x2], $0x80, v4, vm0, $0xb8;
	[tilespmem:$0x18100] =	vst v63  }
0xe0: {  	s29 =	simm.s32 $0x6800;
	v3 =	vadd.s32 v1, v3  }
0xe1: {  	[hbm4b:s7+s2] =	stream.indirect_vreg.scatter [tilespmem:s29], [sflag:$0x2], $0x80, v4, vm0, $0xb8;
	[tilespmem:$0x18100] =	vst v63  }
0xe2: {  	s30 =	simm.s32 $0x7000  }
0xe3: {  	[hbm4b:s8+s2] =	stream.indirect_vreg.scatter [tilespmem:s30], [sflag:$0x2], $0x80, v4, vm0, $0xb8;
	[tilespmem:$0x18100] =	vst v63  }
0xe4: {  	s31 =	simm.s32 $0x7800  }
0xe5: {  	[hbm4b:s4+s2] =	stream.indirect_vreg.scatter [tilespmem:s31], [sflag:$0x2], $0x80, v3, vm0, $0xb8;
	[tilespmem:$0x18100] =	vst v63  }
0xe6: {  	s10 =	simm.s32 $0x8000  }
0xe7: {  	[hbm4b:s7+s2] =	stream.indirect_vreg.scatter [tilespmem:s10], [sflag:$0x2], $0x80, v3, vm0, $0xb8;
	[tilespmem:$0x18100] =	vst v63  }
0xe8: {  	s20 =	simm.s32 $0x8800  }
0xe9: {  	[hbm4b:s8+s2] =	stream.indirect_vreg.scatter [tilespmem:s20], [sflag:$0x2], $0x80, v3, vm0, $0xb8;
	[tilespmem:$0x18100] =	vst v63  }
0xea: {  	v3 =	vld [tilespmem:$0x180B0];
	_ =	sdelay $0x4  }
0xeb: {  	v43 =	vshrl.u32 v3, $0x3  }
0xec: {  	v4 =	vmul.u32 $0x30, v43  }
0xed: {  	v3 =	vand.u32 $0x7, v3  }
0xee: {  	v3 =	vor.u32 v3, v4  }
0xef: {  	v4 =	vperm.xlane v3, v0;
	_ =	sdelay $0x1  }
0xf0: {  	v4 =	vadd.s32 v1, v4;
	_ =	sdelay $0x3  }
0xf1: {  	s21 =	simm.s32 $0x9000;
	v3 =	vperm.xlane v3, v2  }
0xf2: {  	[hbm4b:s4+s2] =	stream.indirect_vreg.scatter [tilespmem:s21], [sflag:$0x2], $0x80, v4, vm0, $0xb8;
	[tilespmem:$0x18100] =	vst v63  }
0xf3: {  	s20 =	simm.s32 $0x9800;
	v3 =	vadd.s32 v1, v3  }
0xf4: {  	[hbm4b:s7+s2] =	stream.indirect_vreg.scatter [tilespmem:s20], [sflag:$0x2], $0x80, v4, vm0, $0xb8;
	[tilespmem:$0x18100] =	vst v63  }
0xf5: {  	s21 =	simm.s32 $0xA000  }
0xf6: {  	[hbm4b:s8+s2] =	stream.indirect_vreg.scatter [tilespmem:s21], [sflag:$0x2], $0x80, v4, vm0, $0xb8;
	[tilespmem:$0x18100] =	vst v63  }
0xf7: {  	s22 =	simm.s32 $0xA800  }
0xf8: {  	[hbm4b:s4+s2] =	stream.indirect_vreg.scatter [tilespmem:s22], [sflag:$0x2], $0x80, v3, vm0, $0xb8;
	[tilespmem:$0x18100] =	vst v63  }
0xf9: {  	s23 =	simm.s32 $0xB000  }
0xfa: {  	[hbm4b:s7+s2] =	stream.indirect_vreg.scatter [tilespmem:s23], [sflag:$0x2], $0x80, v3, vm0, $0xb8;
	[tilespmem:$0x18100] =	vst v63  }
0xfb: {  	s11 =	simm.s32 $0xB800  }
0xfc: {  	[hbm4b:s8+s2] =	stream.indirect_vreg.scatter [tilespmem:s11], [sflag:$0x2], $0x80, v3, vm0, $0xb8;
	[tilespmem:$0x18100] =	vst v63  }
0xfd: {  	v3 =	vld [tilespmem:$0x180C0];
	_ =	sdelay $0x4  }
0xfe: {  	v44 =	vshrl.u32 v3, $0x3  }
0xff: {  	v4 =	vmul.u32 $0x30, v44  }
0x100: {  	v3 =	vand.u32 $0x7, v3  }
0x101: {  	v3 =	vor.u32 v3, v4  }
0x102: {  	v4 =	vperm.xlane v3, v0;
	_ =	sdelay $0x1  }
0x103: {  	v4 =	vadd.s32 v1, v4;
	_ =	sdelay $0x3  }
0x104: {  	s12 =	simm.s32 $0xC000;
	v3 =	vperm.xlane v3, v2  }
0x105: {  	[hbm4b:s4+s2] =	stream.indirect_vreg.scatter [tilespmem:s12], [sflag:$0x2], $0x80, v4, vm0, $0xb8;
	[tilespmem:$0x18100] =	vst v63  }
0x106: {  	s24 =	simm.s32 $0xC800;
	v3 =	vadd.s32 v1, v3  }
0x107: {  	[hbm4b:s7+s2] =	stream.indirect_vreg.scatter [tilespmem:s24], [sflag:$0x2], $0x80, v4, vm0, $0xb8;
	[tilespmem:$0x18100] =	vst v63  }
0x108: {  	s29 =	simm.s32 $0xD000  }
0x109: {  	[hbm4b:s8+s2] =	stream.indirect_vreg.scatter [tilespmem:s29], [sflag:$0x2], $0x80, v4, vm0, $0xb8;
	[tilespmem:$0x18100] =	vst v63  }
0x10a: {  	s30 =	simm.s32 $0xD800  }
0x10b: {  	[hbm4b:s4+s2] =	stream.indirect_vreg.scatter [tilespmem:s30], [sflag:$0x2], $0x80, v3, vm0, $0xb8;
	[tilespmem:$0x18100] =	vst v63  }
0x10c: {  	s31 =	simm.s32 $0xE000  }
0x10d: {  	[hbm4b:s7+s2] =	stream.indirect_vreg.scatter [tilespmem:s31], [sflag:$0x2], $0x80, v3, vm0, $0xb8;
	[tilespmem:$0x18100] =	vst v63  }
0x10e: {  	s13 =	simm.s32 $0xE800  }
0x10f: {  	[hbm4b:s8+s2] =	stream.indirect_vreg.scatter [tilespmem:s13], [sflag:$0x2], $0x80, v3, vm0, $0xb8;
	[tilespmem:$0x18100] =	vst v63  }
0x110: {  	v3 =	vld [tilespmem:$0x180D0];
	_ =	sdelay $0x4  }
0x111: {  	v45 =	vshrl.u32 v3, $0x3  }
0x112: {  	v4 =	vmul.u32 $0x30, v45  }
0x113: {  	v3 =	vand.u32 $0x7, v3  }
0x114: {  	v3 =	vor.u32 v3, v4  }
0x115: {  	v4 =	vperm.xlane v3, v0;
	_ =	sdelay $0x1  }
0x116: {  	v4 =	vadd.s32 v1, v4;
	_ =	sdelay $0x3  }
0x117: {  	s14 =	simm.s32 $0xF000;
	v3 =	vperm.xlane v3, v2  }
0x118: {  	[hbm4b:s4+s2] =	stream.indirect_vreg.scatter [tilespmem:s14], [sflag:$0x2], $0x80, v4, vm0, $0xb8;
	[tilespmem:$0x18100] =	vst v63  }
0x119: {  	v3 =	vadd.s32 v1, v3;
	s14 =	simm.s32 $0xF800  }
0x11a: {  	[hbm4b:s7+s2] =	stream.indirect_vreg.scatter [tilespmem:s14], [sflag:$0x2], $0x80, v4, vm0, $0xb8;
	[tilespmem:$0x18100] =	vst v63  }
0x11b: {  	s21 =	simm.s32 $0x10000  }
0x11c: {  	[hbm4b:s8+s2] =	stream.indirect_vreg.scatter [tilespmem:s21], [sflag:$0x2], $0x80, v4, vm0, $0xb8;
	[tilespmem:$0x18100] =	vst v63  }
0x11d: {  	s22 =	simm.s32 $0x10800  }
0x11e: {  	[hbm4b:s4+s2] =	stream.indirect_vreg.scatter [tilespmem:s22], [sflag:$0x2], $0x80, v3, vm0, $0xb8;
	[tilespmem:$0x18100] =	vst v63  }
0x11f: {  	s23 =	simm.s32 $0x11000  }
0x120: {  	[hbm4b:s7+s2] =	stream.indirect_vreg.scatter [tilespmem:s23], [sflag:$0x2], $0x80, v3, vm0, $0xb8;
	[tilespmem:$0x18100] =	vst v63  }
0x121: {  	s15 =	simm.s32 $0x11800  }
0x122: {  	[hbm4b:s8+s2] =	stream.indirect_vreg.scatter [tilespmem:s15], [sflag:$0x2], $0x80, v3, vm0, $0xb8;
	[tilespmem:$0x18100] =	vst v63  }
0x123: {  	v3 =	vld [tilespmem:$0x180E0];
	_ =	sdelay $0x4  }
0x124: {  	v46 =	vshrl.u32 v3, $0x3  }
0x125: {  	v4 =	vmul.u32 $0x30, v46  }
0x126: {  	v3 =	vand.u32 $0x7, v3  }
0x127: {  	v3 =	vor.u32 v3, v4  }
0x128: {  	v4 =	vperm.xlane v3, v0;
	_ =	sdelay $0x1  }
0x129: {  	v4 =	vadd.s32 v1, v4;
	_ =	sdelay $0x3  }
0x12a: {  	s16 =	simm.s32 $0x12000;
	v3 =	vperm.xlane v3, v2  }
0x12b: {  	[hbm4b:s4+s2] =	stream.indirect_vreg.scatter [tilespmem:s16], [sflag:$0x2], $0x80, v4, vm0, $0xb8;
	[tilespmem:$0x18100] =	vst v63  }
0x12c: {  	s24 =	simm.s32 $0x12800;
	v3 =	vadd.s32 v1, v3  }
0x12d: {  	[hbm4b:s7+s2] =	stream.indirect_vreg.scatter [tilespmem:s24], [sflag:$0x2], $0x80, v4, vm0, $0xb8;
	[tilespmem:$0x18100] =	vst v63  }
0x12e: {  	s29 =	simm.s32 $0x13000  }
0x12f: {  	[hbm4b:s8+s2] =	stream.indirect_vreg.scatter [tilespmem:s29], [sflag:$0x2], $0x80, v4, vm0, $0xb8;
	[tilespmem:$0x18100] =	vst v63  }
0x130: {  	s30 =	simm.s32 $0x13800  }
0x131: {  	[hbm4b:s4+s2] =	stream.indirect_vreg.scatter [tilespmem:s30], [sflag:$0x2], $0x80, v3, vm0, $0xb8;
	[tilespmem:$0x18100] =	vst v63  }
0x132: {  	s31 =	simm.s32 $0x14000  }
0x133: {  	[hbm4b:s7+s2] =	stream.indirect_vreg.scatter [tilespmem:s31], [sflag:$0x2], $0x80, v3, vm0, $0xb8;
	[tilespmem:$0x18100] =	vst v63  }
0x134: {  	s18 =	simm.s32 $0x14800  }
0x135: {  	[hbm4b:s8+s2] =	stream.indirect_vreg.scatter [tilespmem:s18], [sflag:$0x2], $0x80, v3, vm0, $0xb8;
	[tilespmem:$0x18100] =	vst v63  }
0x136: {  	v3 =	vld [tilespmem:$0x180F0];
	_ =	sdelay $0x4  }
0x137: {  	v47 =	vshrl.u32 v3, $0x3  }
0x138: {  	v4 =	vmul.u32 $0x30, v47  }
0x139: {  	v3 =	vand.u32 $0x7, v3  }
0x13a: {  	v3 =	vor.u32 v3, v4  }
0x13b: {  	v4 =	vperm.xlane v3, v0;
	_ =	sdelay $0x1  }
0x13c: {  	v4 =	vadd.s32 v1, v4;
	_ =	sdelay $0x3  }
0x13d: {  	s19 =	simm.s32 $0x15000;
	v3 =	vperm.xlane v3, v2  }
0x13e: {  	[hbm4b:s4+s2] =	stream.indirect_vreg.scatter [tilespmem:s19], [sflag:$0x2], $0x80, v4, vm0, $0xb8;
	[tilespmem:$0x18100] =	vst v63  }
0x13f: {  	v3 =	vadd.s32 v1, v3;
	s19 =	simm.s32 $0x15800  }
0x140: {  	[hbm4b:s7+s2] =	stream.indirect_vreg.scatter [tilespmem:s19], [sflag:$0x2], $0x80, v4, vm0, $0xb8;
	[tilespmem:$0x18100] =	vst v63  }
0x141: {  	s24 =	simm.s32 $0x16000  }
0x142: {  	[hbm4b:s8+s2] =	stream.indirect_vreg.scatter [tilespmem:s24], [sflag:$0x2], $0x80, v4, vm0, $0xb8;
	[tilespmem:$0x18100] =	vst v63  }
0x143: {  	s25 =	simm.s32 $0x16800  }
0x144: {  	[hbm4b:s4+s2] =	stream.indirect_vreg.scatter [tilespmem:s25], [sflag:$0x2], $0x80, v3, vm0, $0xb8;
	[tilespmem:$0x18100] =	vst v63  }
0x145: {  	s26 =	simm.s32 $0x17000  }
0x146: {  	[hbm4b:s7+s2] =	stream.indirect_vreg.scatter [tilespmem:s26], [sflag:$0x2], $0x80, v3, vm0, $0xb8;
	[tilespmem:$0x18100] =	vst v63  }
0x147: {  	s28 =	simm.s32 $0x17800;
	s1 =	simm.s32 $0x2  }
0x148: {  	[hbm4b:s8+s2] =	stream.indirect_vreg.scatter [tilespmem:s28], [sflag:$0x2], $0x80, v3, vm0, $0xb8;
	[tilespmem:$0x18100] =	vst v63  }
0x149: {  	_ =	swait.ge [sflag:s1], $0x18000  }
0x14a: {  	[sflag:s1] =	ssyncset.done $0x0  }
0x14b: {  	s31 =	simm.s32 $0x18000;
	s30 =	rddreg [dreg:$0x5];
	[sflag:s1] =	ssyncadd.s32 $0xFFFE8000  }
0x14c: {  	[tilespmem:s31], [sflag:$0x3] =	stream.linear.gather [hbm4b:s30+s2], $0x80, $0x38;
	[tilespmem:$0x18100] =	vst v63  }
0x14d: {  	_ =	swait.ge [sflag:s17], $0x80  }
0x14e: {  	[sflag:s17] =	ssyncset.done $0x0  }
0x14f: {  	s30 =	simm.s32 $0x18080;
	s28 =	rddreg [dreg:$0x6];
	[sflag:s17] =	ssyncadd.s32 $0xFFFFFF80  }
0x150: {  	[tilespmem:s30], [sflag:$0x3] =	stream.linear.gather [hbm4b:s28+s2], $0x80, $0x38;
	[tilespmem:$0x18100] =	vst v63  }
0x151: {  	_ =	swait.ge [sflag:s17], $0x80  }
0x152: {  	[sflag:s17] =	ssyncset.done $0x0  }
0x153: {  	[sflag:s17] =	ssyncadd.s32 $0xFFFFFF80  }
0x154: {  	v3 =	vld [tilespmem:$0x18000];
	_ =	sdelay $0x4  }
0x155: {  	v48 =	vshrl.u32 v3, $0x3  }
0x156: {  	v4 =	vmul.u32 $0x30, v48  }
0x157: {  	v3 =	vand.u32 $0x7, v3  }
0x158: {  	v3 =	vor.u32 v3, v4  }
0x159: {  	v4 =	vperm.xlane v3, v0;
	_ =	sdelay $0x1  }
0x15a: {  	v4 =	vadd.s32 v1, v4;
	_ =	sdelay $0x3  }
0x15b: {  	v3 =	vperm.xlane v3, v2  }
0x15c: {  	[tilespmem:s2], [sflag:$0x1] =	stream.indirect_vreg.gather [hbm4b:s3+s2], $0x80, v4, vm0, $0xb8;
	[tilespmem:$0x18100] =	vst v63  }
0x15d: {  	s31 =	simm.s32 $0x800;
	v3 =	vadd.s32 v1, v3  }
0x15e: {  	[tilespmem:s31], [sflag:$0x1] =	stream.indirect_vreg.gather [hbm4b:s5+s2], $0x80, v4, vm0, $0xb8;
	[tilespmem:$0x18100] =	vst v63  }
0x15f: {  	s19 =	simm.s32 $0x1000  }
0x160: {  	[tilespmem:s19], [sflag:$0x1] =	stream.indirect_vreg.gather [hbm4b:s6+s2], $0x80, v4, vm0, $0xb8;
	[tilespmem:$0x18100] =	vst v63  }
0x161: {  	s28 =	simm.s32 $0x1800  }
0x162: {  	[tilespmem:s28], [sflag:$0x1] =	stream.indirect_vreg.gather [hbm4b:s3+s2], $0x80, v3, vm0, $0xb8;
	[tilespmem:$0x18100] =	vst v63  }
0x163: {  	s30 =	simm.s32 $0x2000  }
0x164: {  	[tilespmem:s30], [sflag:$0x1] =	stream.indirect_vreg.gather [hbm4b:s5+s2], $0x80, v3, vm0, $0xb8;
	[tilespmem:$0x18100] =	vst v63  }
0x165: {  	s31 =	simm.s32 $0x2800  }
0x166: {  	[tilespmem:s31], [sflag:$0x1] =	stream.indirect_vreg.gather [hbm4b:s6+s2], $0x80, v3, vm0, $0xb8;
	[tilespmem:$0x18100] =	vst v63  }
0x167: {  	v3 =	vld [tilespmem:$0x18010];
	_ =	sdelay $0x4  }
0x168: {  	v49 =	vshrl.u32 v3, $0x3  }
0x169: {  	v4 =	vmul.u32 $0x30, v49  }
0x16a: {  	v3 =	vand.u32 $0x7, v3  }
0x16b: {  	v3 =	vor.u32 v3, v4  }
0x16c: {  	v4 =	vperm.xlane v3, v0;
	_ =	sdelay $0x1  }
0x16d: {  	v4 =	vadd.s32 v1, v4;
	_ =	sdelay $0x3  }
0x16e: {  	s19 =	simm.s32 $0x3000;
	v3 =	vperm.xlane v3, v2  }
0x16f: {  	[tilespmem:s19], [sflag:$0x1] =	stream.indirect_vreg.gather [hbm4b:s3+s2], $0x80, v4, vm0, $0xb8;
	[tilespmem:$0x18100] =	vst v63  }
0x170: {  	s28 =	simm.s32 $0x3800;
	v3 =	vadd.s32 v1, v3  }
0x171: {  	[tilespmem:s28], [sflag:$0x1] =	stream.indirect_vreg.gather [hbm4b:s5+s2], $0x80, v4, vm0, $0xb8;
	[tilespmem:$0x18100] =	vst v63  }
0x172: {  	s30 =	simm.s32 $0x4000  }
0x173: {  	[tilespmem:s30], [sflag:$0x1] =	stream.indirect_vreg.gather [hbm4b:s6+s2], $0x80, v4, vm0, $0xb8;
	[tilespmem:$0x18100] =	vst v63  }
0x174: {  	s31 =	simm.s32 $0x4800  }
0x175: {  	[tilespmem:s31], [sflag:$0x1] =	stream.indirect_vreg.gather [hbm4b:s3+s2], $0x80, v3, vm0, $0xb8;
	[tilespmem:$0x18100] =	vst v63  }
0x176: {  	s19 =	simm.s32 $0x5000  }
0x177: {  	[tilespmem:s19], [sflag:$0x1] =	stream.indirect_vreg.gather [hbm4b:s5+s2], $0x80, v3, vm0, $0xb8;
	[tilespmem:$0x18100] =	vst v63  }
0x178: {  	s28 =	simm.s32 $0x5800  }
0x179: {  	[tilespmem:s28], [sflag:$0x1] =	stream.indirect_vreg.gather [hbm4b:s6+s2], $0x80, v3, vm0, $0xb8;
	[tilespmem:$0x18100] =	vst v63  }
0x17a: {  	v3 =	vld [tilespmem:$0x18020];
	_ =	sdelay $0x4  }
0x17b: {  	v50 =	vshrl.u32 v3, $0x3  }
0x17c: {  	v4 =	vmul.u32 $0x30, v50  }
0x17d: {  	v3 =	vand.u32 $0x7, v3  }
0x17e: {  	v3 =	vor.u32 v3, v4  }
0x17f: {  	v4 =	vperm.xlane v3, v0;
	_ =	sdelay $0x1  }
0x180: {  	v4 =	vadd.s32 v1, v4;
	_ =	sdelay $0x3  }
0x181: {  	s30 =	simm.s32 $0x6000;
	v3 =	vperm.xlane v3, v2  }
0x182: {  	[tilespmem:s30], [sflag:$0x1] =	stream.indirect_vreg.gather [hbm4b:s3+s2], $0x80, v4, vm0, $0xb8;
	[tilespmem:$0x18100] =	vst v63  }
0x183: {  	s31 =	simm.s32 $0x6800;
	v3 =	vadd.s32 v1, v3  }
0x184: {  	[tilespmem:s31], [sflag:$0x1] =	stream.indirect_vreg.gather [hbm4b:s5+s2], $0x80, v4, vm0, $0xb8;
	[tilespmem:$0x18100] =	vst v63  }
0x185: {  	s19 =	simm.s32 $0x7000  }
0x186: {  	[tilespmem:s19], [sflag:$0x1] =	stream.indirect_vreg.gather [hbm4b:s6+s2], $0x80, v4, vm0, $0xb8;
	[tilespmem:$0x18100] =	vst v63  }
0x187: {  	s28 =	simm.s32 $0x7800  }
0x188: {  	[tilespmem:s28], [sflag:$0x1] =	stream.indirect_vreg.gather [hbm4b:s3+s2], $0x80, v3, vm0, $0xb8;
	[tilespmem:$0x18100] =	vst v63  }
0x189: {  	s19 =	simm.s32 $0x8000  }
0x18a: {  	[tilespmem:s19], [sflag:$0x1] =	stream.indirect_vreg.gather [hbm4b:s5+s2], $0x80, v3, vm0, $0xb8;
	[tilespmem:$0x18100] =	vst v63  }
0x18b: {  	s10 =	simm.s32 $0x8800  }
0x18c: {  	[tilespmem:s10], [sflag:$0x1] =	stream.indirect_vreg.gather [hbm4b:s6+s2], $0x80, v3, vm0, $0xb8;
	[tilespmem:$0x18100] =	vst v63  }
0x18d: {  	v3 =	vld [tilespmem:$0x18030];
	_ =	sdelay $0x4  }
0x18e: {  	v51 =	vshrl.u32 v3, $0x3  }
0x18f: {  	v4 =	vmul.u32 $0x30, v51  }
0x190: {  	v3 =	vand.u32 $0x7, v3  }
0x191: {  	v3 =	vor.u32 v3, v4  }
0x192: {  	v4 =	vperm.xlane v3, v0;
	_ =	sdelay $0x1  }
0x193: {  	v4 =	vadd.s32 v1, v4;
	_ =	sdelay $0x3  }
0x194: {  	s28 =	simm.s32 $0x9000;
	v3 =	vperm.xlane v3, v2  }
0x195: {  	[tilespmem:s28], [sflag:$0x1] =	stream.indirect_vreg.gather [hbm4b:s3+s2], $0x80, v4, vm0, $0xb8;
	[tilespmem:$0x18100] =	vst v63  }
0x196: {  	s10 =	simm.s32 $0x9800;
	v3 =	vadd.s32 v1, v3  }
0x197: {  	[tilespmem:s10], [sflag:$0x1] =	stream.indirect_vreg.gather [hbm4b:s5+s2], $0x80, v4, vm0, $0xb8;
	[tilespmem:$0x18100] =	vst v63  }
0x198: {  	s19 =	simm.s32 $0xA000  }
0x199: {  	[tilespmem:s19], [sflag:$0x1] =	stream.indirect_vreg.gather [hbm4b:s6+s2], $0x80, v4, vm0, $0xb8;
	[tilespmem:$0x18100] =	vst v63  }
0x19a: {  	s28 =	simm.s32 $0xA800  }
0x19b: {  	[tilespmem:s28], [sflag:$0x1] =	stream.indirect_vreg.gather [hbm4b:s3+s2], $0x80, v3, vm0, $0xb8;
	[tilespmem:$0x18100] =	vst v63  }
0x19c: {  	s18 =	simm.s32 $0xB000  }
0x19d: {  	[tilespmem:s18], [sflag:$0x1] =	stream.indirect_vreg.gather [hbm4b:s5+s2], $0x80, v3, vm0, $0xb8;
	[tilespmem:$0x18100] =	vst v63  }
0x19e: {  	s10 =	simm.s32 $0xB800  }
0x19f: {  	[tilespmem:s10], [sflag:$0x1] =	stream.indirect_vreg.gather [hbm4b:s6+s2], $0x80, v3, vm0, $0xb8;
	[tilespmem:$0x18100] =	vst v63  }
0x1a0: {  	v3 =	vld [tilespmem:$0x18040];
	_ =	sdelay $0x4  }
0x1a1: {  	v52 =	vshrl.u32 v3, $0x3  }
0x1a2: {  	v4 =	vmul.u32 $0x30, v52  }
0x1a3: {  	v3 =	vand.u32 $0x7, v3  }
0x1a4: {  	v3 =	vor.u32 v3, v4  }
0x1a5: {  	v4 =	vperm.xlane v3, v0;
	_ =	sdelay $0x1  }
0x1a6: {  	v4 =	vadd.s32 v1, v4;
	_ =	sdelay $0x3  }
0x1a7: {  	s10 =	simm.s32 $0xC000;
	v3 =	vperm.xlane v3, v2  }
0x1a8: {  	[tilespmem:s10], [sflag:$0x1] =	stream.indirect_vreg.gather [hbm4b:s3+s2], $0x80, v4, vm0, $0xb8;
	[tilespmem:$0x18100] =	vst v63  }
0x1a9: {  	s28 =	simm.s32 $0xC800;
	v3 =	vadd.s32 v1, v3  }
0x1aa: {  	[tilespmem:s28], [sflag:$0x1] =	stream.indirect_vreg.gather [hbm4b:s5+s2], $0x80, v4, vm0, $0xb8;
	[tilespmem:$0x18100] =	vst v63  }
0x1ab: {  	s11 =	simm.s32 $0xD000  }
0x1ac: {  	[tilespmem:s11], [sflag:$0x1] =	stream.indirect_vreg.gather [hbm4b:s6+s2], $0x80, v4, vm0, $0xb8;
	[tilespmem:$0x18100] =	vst v63  }
0x1ad: {  	s12 =	simm.s32 $0xD800  }
0x1ae: {  	[tilespmem:s12], [sflag:$0x1] =	stream.indirect_vreg.gather [hbm4b:s3+s2], $0x80, v3, vm0, $0xb8;
	[tilespmem:$0x18100] =	vst v63  }
0x1af: {  	s20 =	simm.s32 $0xE000  }
0x1b0: {  	[tilespmem:s20], [sflag:$0x1] =	stream.indirect_vreg.gather [hbm4b:s5+s2], $0x80, v3, vm0, $0xb8;
	[tilespmem:$0x18100] =	vst v63  }
0x1b1: {  	s11 =	simm.s32 $0xE800  }
0x1b2: {  	[tilespmem:s11], [sflag:$0x1] =	stream.indirect_vreg.gather [hbm4b:s6+s2], $0x80, v3, vm0, $0xb8;
	[tilespmem:$0x18100] =	vst v63  }
0x1b3: {  	v3 =	vld [tilespmem:$0x18050];
	_ =	sdelay $0x4  }
0x1b4: {  	v53 =	vshrl.u32 v3, $0x3  }
0x1b5: {  	v4 =	vmul.u32 $0x30, v53  }
0x1b6: {  	v3 =	vand.u32 $0x7, v3  }
0x1b7: {  	v3 =	vor.u32 v3, v4  }
0x1b8: {  	v4 =	vperm.xlane v3, v0;
	_ =	sdelay $0x1  }
0x1b9: {  	v4 =	vadd.s32 v1, v4;
	_ =	sdelay $0x3  }
0x1ba: {  	s12 =	simm.s32 $0xF000;
	v3 =	vperm.xlane v3, v2  }
0x1bb: {  	[tilespmem:s12], [sflag:$0x1] =	stream.indirect_vreg.gather [hbm4b:s3+s2], $0x80, v4, vm0, $0xb8;
	[tilespmem:$0x18100] =	vst v63  }
0x1bc: {  	s13 =	simm.s32 $0xF800;
	v3 =	vadd.s32 v1, v3  }
0x1bd: {  	[tilespmem:s13], [sflag:$0x1] =	stream.indirect_vreg.gather [hbm4b:s5+s2], $0x80, v4, vm0, $0xb8;
	[tilespmem:$0x18100] =	vst v63  }
0x1be: {  	s14 =	simm.s32 $0x10000  }
0x1bf: {  	[tilespmem:s14], [sflag:$0x1] =	stream.indirect_vreg.gather [hbm4b:s6+s2], $0x80, v4, vm0, $0xb8;
	[tilespmem:$0x18100] =	vst v63  }
0x1c0: {  	s21 =	simm.s32 $0x10800  }
0x1c1: {  	[tilespmem:s21], [sflag:$0x1] =	stream.indirect_vreg.gather [hbm4b:s3+s2], $0x80, v3, vm0, $0xb8;
	[tilespmem:$0x18100] =	vst v63  }
0x1c2: {  	s22 =	simm.s32 $0x11000  }
0x1c3: {  	[tilespmem:s22], [sflag:$0x1] =	stream.indirect_vreg.gather [hbm4b:s5+s2], $0x80, v3, vm0, $0xb8;
	[tilespmem:$0x18100] =	vst v63  }
0x1c4: {  	s13 =	simm.s32 $0x11800  }
0x1c5: {  	[tilespmem:s13], [sflag:$0x1] =	stream.indirect_vreg.gather [hbm4b:s6+s2], $0x80, v3, vm0, $0xb8;
	[tilespmem:$0x18100] =	vst v63  }
0x1c6: {  	v3 =	vld [tilespmem:$0x18060];
	_ =	sdelay $0x4  }
0x1c7: {  	v54 =	vshrl.u32 v3, $0x3  }
0x1c8: {  	v4 =	vmul.u32 $0x30, v54  }
0x1c9: {  	v3 =	vand.u32 $0x7, v3  }
0x1ca: {  	v3 =	vor.u32 v3, v4  }
0x1cb: {  	v4 =	vperm.xlane v3, v0;
	_ =	sdelay $0x1  }
0x1cc: {  	v4 =	vadd.s32 v1, v4;
	_ =	sdelay $0x3  }
0x1cd: {  	s14 =	simm.s32 $0x12000;
	v3 =	vperm.xlane v3, v2  }
0x1ce: {  	[tilespmem:s14], [sflag:$0x1] =	stream.indirect_vreg.gather [hbm4b:s3+s2], $0x80, v4, vm0, $0xb8;
	[tilespmem:$0x18100] =	vst v63  }
0x1cf: {  	s23 =	simm.s32 $0x12800;
	v3 =	vadd.s32 v1, v3  }
0x1d0: {  	[tilespmem:s23], [sflag:$0x1] =	stream.indirect_vreg.gather [hbm4b:s5+s2], $0x80, v4, vm0, $0xb8;
	[tilespmem:$0x18100] =	vst v63  }
0x1d1: {  	s15 =	simm.s32 $0x13000  }
0x1d2: {  	[tilespmem:s15], [sflag:$0x1] =	stream.indirect_vreg.gather [hbm4b:s6+s2], $0x80, v4, vm0, $0xb8;
	[tilespmem:$0x18100] =	vst v63  }
0x1d3: {  	s16 =	simm.s32 $0x13800  }
0x1d4: {  	[tilespmem:s16], [sflag:$0x1] =	stream.indirect_vreg.gather [hbm4b:s3+s2], $0x80, v3, vm0, $0xb8;
	[tilespmem:$0x18100] =	vst v63  }
0x1d5: {  	s29 =	simm.s32 $0x14000  }
0x1d6: {  	[tilespmem:s29], [sflag:$0x1] =	stream.indirect_vreg.gather [hbm4b:s5+s2], $0x80, v3, vm0, $0xb8;
	[tilespmem:$0x18100] =	vst v63  }
0x1d7: {  	s15 =	simm.s32 $0x14800  }
0x1d8: {  	[tilespmem:s15], [sflag:$0x1] =	stream.indirect_vreg.gather [hbm4b:s6+s2], $0x80, v3, vm0, $0xb8;
	[tilespmem:$0x18100] =	vst v63  }
0x1d9: {  	v3 =	vld [tilespmem:$0x18070];
	_ =	sdelay $0x4  }
0x1da: {  	v55 =	vshrl.u32 v3, $0x3  }
0x1db: {  	v4 =	vmul.u32 $0x30, v55  }
0x1dc: {  	v3 =	vand.u32 $0x7, v3  }
0x1dd: {  	v3 =	vor.u32 v3, v4  }
0x1de: {  	v4 =	vperm.xlane v3, v0;
	_ =	sdelay $0x1  }
0x1df: {  	v4 =	vadd.s32 v1, v4;
	_ =	sdelay $0x3  }
0x1e0: {  	s16 =	simm.s32 $0x15000;
	v3 =	vperm.xlane v3, v2  }
0x1e1: {  	[tilespmem:s16], [sflag:$0x1] =	stream.indirect_vreg.gather [hbm4b:s3+s2], $0x80, v4, vm0, $0xb8;
	[tilespmem:$0x18100] =	vst v63  }
0x1e2: {  	s29 =	simm.s32 $0x15800;
	v3 =	vadd.s32 v1, v3  }
0x1e3: {  	[tilespmem:s29], [sflag:$0x1] =	stream.indirect_vreg.gather [hbm4b:s5+s2], $0x80, v4, vm0, $0xb8;
	[tilespmem:$0x18100] =	vst v63  }
0x1e4: {  	s24 =	simm.s32 $0x16000  }
0x1e5: {  	[tilespmem:s24], [sflag:$0x1] =	stream.indirect_vreg.gather [hbm4b:s6+s2], $0x80, v4, vm0, $0xb8;
	[tilespmem:$0x18100] =	vst v63  }
0x1e6: {  	s25 =	simm.s32 $0x16800  }
0x1e7: {  	[tilespmem:s25], [sflag:$0x1] =	stream.indirect_vreg.gather [hbm4b:s3+s2], $0x80, v3, vm0, $0xb8;
	[tilespmem:$0x18100] =	vst v63  }
0x1e8: {  	s26 =	simm.s32 $0x17000  }
0x1e9: {  	[tilespmem:s26], [sflag:$0x1] =	stream.indirect_vreg.gather [hbm4b:s5+s2], $0x80, v3, vm0, $0xb8;
	[tilespmem:$0x18100] =	vst v63  }
0x1ea: {  	s26 =	simm.s32 $0x17800  }
0x1eb: {  	[tilespmem:s26], [sflag:$0x1] =	stream.indirect_vreg.gather [hbm4b:s6+s2], $0x80, v3, vm0, $0xb8;
	[tilespmem:$0x18100] =	vst v63  }
0x1ec: {  	_ =	swait.ge [sflag:s0], $0x18000  }
0x1ed: {  	[sflag:s0] =	ssyncset.done $0x0  }
0x1ee: {  	[sflag:s0] =	ssyncadd.s32 $0xFFFE8000  }
0x1ef: {  	v3 =	vld [tilespmem:$0x18080];
	_ =	sdelay $0x4  }
0x1f0: {  	v56 =	vshrl.u32 v3, $0x3  }
0x1f1: {  	v4 =	vmul.u32 $0x30, v56  }
0x1f2: {  	v3 =	vand.u32 $0x7, v3  }
0x1f3: {  	v3 =	vor.u32 v3, v4  }
0x1f4: {  	v4 =	vperm.xlane v3, v0;
	_ =	sdelay $0x1  }
0x1f5: {  	v4 =	vadd.s32 v1, v4;
	_ =	sdelay $0x3  }
0x1f6: {  	v3 =	vperm.xlane v3, v2  }
0x1f7: {  	[hbm4b:s4+s2] =	stream.indirect_vreg.scatter [tilespmem:s2], [sflag:$0x2], $0x80, v4, vm0, $0xb8;
	[tilespmem:$0x18100] =	vst v63  }
0x1f8: {  	s0 =	simm.s32 $0x800;
	v3 =	vadd.s32 v1, v3  }
0x1f9: {  	[hbm4b:s7+s2] =	stream.indirect_vreg.scatter [tilespmem:s0], [sflag:$0x2], $0x80, v4, vm0, $0xb8;
	[tilespmem:$0x18100] =	vst v63  }
0x1fa: {  	s0 =	simm.s32 $0x1000  }
0x1fb: {  	[hbm4b:s8+s2] =	stream.indirect_vreg.scatter [tilespmem:s0], [sflag:$0x2], $0x80, v4, vm0, $0xb8;
	[tilespmem:$0x18100] =	vst v63  }
0x1fc: {  	s0 =	simm.s32 $0x1800  }
0x1fd: {  	[hbm4b:s4+s2] =	stream.indirect_vreg.scatter [tilespmem:s0], [sflag:$0x2], $0x80, v3, vm0, $0xb8;
	[tilespmem:$0x18100] =	vst v63  }
0x1fe: {  	s0 =	simm.s32 $0x2000  }
0x1ff: {  	[hbm4b:s7+s2] =	stream.indirect_vreg.scatter [tilespmem:s0], [sflag:$0x2], $0x80, v3, vm0, $0xb8;
	[tilespmem:$0x18100] =	vst v63  }
0x200: {  	s0 =	simm.s32 $0x2800  }
0x201: {  	[hbm4b:s8+s2] =	stream.indirect_vreg.scatter [tilespmem:s0], [sflag:$0x2], $0x80, v3, vm0, $0xb8;
	[tilespmem:$0x18100] =	vst v63  }
0x202: {  	v3 =	vld [tilespmem:$0x18090];
	_ =	sdelay $0x4  }
0x203: {  	v57 =	vshrl.u32 v3, $0x3  }
0x204: {  	v4 =	vmul.u32 $0x30, v57  }
0x205: {  	v3 =	vand.u32 $0x7, v3  }
0x206: {  	v3 =	vor.u32 v3, v4  }
0x207: {  	v4 =	vperm.xlane v3, v0;
	_ =	sdelay $0x1  }
0x208: {  	v4 =	vadd.s32 v1, v4;
	_ =	sdelay $0x3  }
0x209: {  	s0 =	simm.s32 $0x3000;
	v3 =	vperm.xlane v3, v2  }
0x20a: {  	[hbm4b:s4+s2] =	stream.indirect_vreg.scatter [tilespmem:s0], [sflag:$0x2], $0x80, v4, vm0, $0xb8;
	[tilespmem:$0x18100] =	vst v63  }
0x20b: {  	v3 =	vadd.s32 v1, v3;
	s0 =	simm.s32 $0x3800  }
0x20c: {  	[hbm4b:s7+s2] =	stream.indirect_vreg.scatter [tilespmem:s0], [sflag:$0x2], $0x80, v4, vm0, $0xb8;
	[tilespmem:$0x18100] =	vst v63  }
0x20d: {  	s0 =	simm.s32 $0x4000  }
0x20e: {  	[hbm4b:s8+s2] =	stream.indirect_vreg.scatter [tilespmem:s0], [sflag:$0x2], $0x80, v4, vm0, $0xb8;
	[tilespmem:$0x18100] =	vst v63  }
0x20f: {  	s0 =	simm.s32 $0x4800  }
0x210: {  	[hbm4b:s4+s2] =	stream.indirect_vreg.scatter [tilespmem:s0], [sflag:$0x2], $0x80, v3, vm0, $0xb8;
	[tilespmem:$0x18100] =	vst v63  }
0x211: {  	s0 =	simm.s32 $0x5000  }
0x212: {  	[hbm4b:s7+s2] =	stream.indirect_vreg.scatter [tilespmem:s0], [sflag:$0x2], $0x80, v3, vm0, $0xb8;
	[tilespmem:$0x18100] =	vst v63  }
0x213: {  	s0 =	simm.s32 $0x5800  }
0x214: {  	[hbm4b:s8+s2] =	stream.indirect_vreg.scatter [tilespmem:s0], [sflag:$0x2], $0x80, v3, vm0, $0xb8;
	[tilespmem:$0x18100] =	vst v63  }
0x215: {  	v3 =	vld [tilespmem:$0x180A0];
	_ =	sdelay $0x4  }
0x216: {  	v58 =	vshrl.u32 v3, $0x3  }
0x217: {  	v4 =	vmul.u32 $0x30, v58  }
0x218: {  	v3 =	vand.u32 $0x7, v3  }
0x219: {  	v3 =	vor.u32 v3, v4  }
0x21a: {  	v4 =	vperm.xlane v3, v0;
	_ =	sdelay $0x1  }
0x21b: {  	v4 =	vadd.s32 v1, v4;
	_ =	sdelay $0x3  }
0x21c: {  	s0 =	simm.s32 $0x6000;
	v3 =	vperm.xlane v3, v2  }
0x21d: {  	[hbm4b:s4+s2] =	stream.indirect_vreg.scatter [tilespmem:s0], [sflag:$0x2], $0x80, v4, vm0, $0xb8;
	[tilespmem:$0x18100] =	vst v63  }
0x21e: {  	s30 =	simm.s32 $0x6800;
	v3 =	vadd.s32 v1, v3  }
0x21f: {  	[hbm4b:s7+s2] =	stream.indirect_vreg.scatter [tilespmem:s30], [sflag:$0x2], $0x80, v4, vm0, $0xb8;
	[tilespmem:$0x18100] =	vst v63  }
0x220: {  	s31 =	simm.s32 $0x7000  }
0x221: {  	[hbm4b:s8+s2] =	stream.indirect_vreg.scatter [tilespmem:s31], [sflag:$0x2], $0x80, v4, vm0, $0xb8;
	[tilespmem:$0x18100] =	vst v63  }
0x222: {  	s31 =	simm.s32 $0x7800  }
0x223: {  	[hbm4b:s4+s2] =	stream.indirect_vreg.scatter [tilespmem:s31], [sflag:$0x2], $0x80, v3, vm0, $0xb8;
	[tilespmem:$0x18100] =	vst v63  }
0x224: {  	s30 =	simm.s32 $0x8000  }
0x225: {  	[hbm4b:s7+s2] =	stream.indirect_vreg.scatter [tilespmem:s30], [sflag:$0x2], $0x80, v3, vm0, $0xb8;
	[tilespmem:$0x18100] =	vst v63  }
0x226: {  	s31 =	simm.s32 $0x8800  }
0x227: {  	[hbm4b:s8+s2] =	stream.indirect_vreg.scatter [tilespmem:s31], [sflag:$0x2], $0x80, v3, vm0, $0xb8;
	[tilespmem:$0x18100] =	vst v63  }
0x228: {  	v3 =	vld [tilespmem:$0x180B0];
	_ =	sdelay $0x4  }
0x229: {  	v59 =	vshrl.u32 v3, $0x3  }
0x22a: {  	v4 =	vmul.u32 $0x30, v59  }
0x22b: {  	v3 =	vand.u32 $0x7, v3  }
0x22c: {  	v3 =	vor.u32 v3, v4  }
0x22d: {  	v4 =	vperm.xlane v3, v0;
	_ =	sdelay $0x1  }
0x22e: {  	v4 =	vadd.s32 v1, v4;
	_ =	sdelay $0x3  }
0x22f: {  	s30 =	simm.s32 $0x9000;
	v3 =	vperm.xlane v3, v2  }
0x230: {  	[hbm4b:s4+s2] =	stream.indirect_vreg.scatter [tilespmem:s30], [sflag:$0x2], $0x80, v4, vm0, $0xb8;
	[tilespmem:$0x18100] =	vst v63  }
0x231: {  	s31 =	simm.s32 $0x9800;
	v3 =	vadd.s32 v1, v3  }
0x232: {  	[hbm4b:s7+s2] =	stream.indirect_vreg.scatter [tilespmem:s31], [sflag:$0x2], $0x80, v4, vm0, $0xb8;
	[tilespmem:$0x18100] =	vst v63  }
0x233: {  	s30 =	simm.s32 $0xA000  }
0x234: {  	[hbm4b:s8+s2] =	stream.indirect_vreg.scatter [tilespmem:s30], [sflag:$0x2], $0x80, v4, vm0, $0xb8;
	[tilespmem:$0x18100] =	vst v63  }
0x235: {  	s31 =	simm.s32 $0xA800  }
0x236: {  	[hbm4b:s4+s2] =	stream.indirect_vreg.scatter [tilespmem:s31], [sflag:$0x2], $0x80, v3, vm0, $0xb8;
	[tilespmem:$0x18100] =	vst v63  }
0x237: {  	_ = 	snop  }
0x238: {  	[hbm4b:s7+s2] =	stream.indirect_vreg.scatter [tilespmem:s18], [sflag:$0x2], $0x80, v3, vm0, $0xb8;
	[tilespmem:$0x18100] =	vst v63  }
0x239: {  	s18 =	simm.s32 $0xB800  }
0x23a: {  	[hbm4b:s8+s2] =	stream.indirect_vreg.scatter [tilespmem:s18], [sflag:$0x2], $0x80, v3, vm0, $0xb8;
	[tilespmem:$0x18100] =	vst v63  }
0x23b: {  	v3 =	vld [tilespmem:$0x180C0];
	_ =	sdelay $0x4  }
0x23c: {  	v60 =	vshrl.u32 v3, $0x3  }
0x23d: {  	v4 =	vmul.u32 $0x30, v60  }
0x23e: {  	v3 =	vand.u32 $0x7, v3  }
0x23f: {  	v3 =	vor.u32 v3, v4  }
0x240: {  	v4 =	vperm.xlane v3, v0;
	_ =	sdelay $0x1  }
0x241: {  	v4 =	vadd.s32 v1, v4;
	_ =	sdelay $0x3  }
0x242: {  	v3 =	vperm.xlane v3, v2  }
0x243: {  	[hbm4b:s4+s2] =	stream.indirect_vreg.scatter [tilespmem:s10], [sflag:$0x2], $0x80, v4, vm0, $0xb8;
	[tilespmem:$0x18100] =	vst v63  }
0x244: {  	s30 =	simm.s32 $0xC800;
	v3 =	vadd.s32 v1, v3  }
0x245: {  	[hbm4b:s7+s2] =	stream.indirect_vreg.scatter [tilespmem:s30], [sflag:$0x2], $0x80, v4, vm0, $0xb8;
	[tilespmem:$0x18100] =	vst v63  }
0x246: {  	s31 =	simm.s32 $0xD000  }
0x247: {  	[hbm4b:s8+s2] =	stream.indirect_vreg.scatter [tilespmem:s31], [sflag:$0x2], $0x80, v4, vm0, $0xb8;
	[tilespmem:$0x18100] =	vst v63  }
0x248: {  	s10 =	simm.s32 $0xD800  }
0x249: {  	[hbm4b:s4+s2] =	stream.indirect_vreg.scatter [tilespmem:s10], [sflag:$0x2], $0x80, v3, vm0, $0xb8;
	[tilespmem:$0x18100] =	vst v63  }
0x24a: {  	s19 =	simm.s32 $0xE000  }
0x24b: {  	[hbm4b:s7+s2] =	stream.indirect_vreg.scatter [tilespmem:s19], [sflag:$0x2], $0x80, v3, vm0, $0xb8;
	[tilespmem:$0x18100] =	vst v63  }
0x24c: {  	_ = 	snop  }
0x24d: {  	[hbm4b:s8+s2] =	stream.indirect_vreg.scatter [tilespmem:s11], [sflag:$0x2], $0x80, v3, vm0, $0xb8;
	[tilespmem:$0x18100] =	vst v63  }
0x24e: {  	v3 =	vld [tilespmem:$0x180D0];
	_ =	sdelay $0x4  }
0x24f: {  	v61 =	vshrl.u32 v3, $0x3  }
0x250: {  	v4 =	vmul.u32 $0x30, v61  }
0x251: {  	v3 =	vand.u32 $0x7, v3  }
0x252: {  	v3 =	vor.u32 v3, v4  }
0x253: {  	v4 =	vperm.xlane v3, v0;
	_ =	sdelay $0x1  }
0x254: {  	v4 =	vadd.s32 v1, v4;
	_ =	sdelay $0x3  }
0x255: {  	v3 =	vperm.xlane v3, v2  }
0x256: {  	[hbm4b:s4+s2] =	stream.indirect_vreg.scatter [tilespmem:s12], [sflag:$0x2], $0x80, v4, vm0, $0xb8;
	[tilespmem:$0x18100] =	vst v63  }
0x257: {  	s18 =	simm.s32 $0xF800;
	v3 =	vadd.s32 v1, v3  }
0x258: {  	[hbm4b:s7+s2] =	stream.indirect_vreg.scatter [tilespmem:s18], [sflag:$0x2], $0x80, v4, vm0, $0xb8;
	[tilespmem:$0x18100] =	vst v63  }
0x259: {  	s19 =	simm.s32 $0x10000  }
0x25a: {  	[hbm4b:s8+s2] =	stream.indirect_vreg.scatter [tilespmem:s19], [sflag:$0x2], $0x80, v4, vm0, $0xb8;
	[tilespmem:$0x18100] =	vst v63  }
0x25b: {  	s20 =	simm.s32 $0x10800  }
0x25c: {  	[hbm4b:s4+s2] =	stream.indirect_vreg.scatter [tilespmem:s20], [sflag:$0x2], $0x80, v3, vm0, $0xb8;
	[tilespmem:$0x18100] =	vst v63  }
0x25d: {  	s21 =	simm.s32 $0x11000  }
0x25e: {  	[hbm4b:s7+s2] =	stream.indirect_vreg.scatter [tilespmem:s21], [sflag:$0x2], $0x80, v3, vm0, $0xb8;
	[tilespmem:$0x18100] =	vst v63  }
0x25f: {  	_ = 	snop  }
0x260: {  	[hbm4b:s8+s2] =	stream.indirect_vreg.scatter [tilespmem:s13], [sflag:$0x2], $0x80, v3, vm0, $0xb8;
	[tilespmem:$0x18100] =	vst v63  }
0x261: {  	v3 =	vld [tilespmem:$0x180E0];
	_ =	sdelay $0x4  }
0x262: {  	v62 =	vshrl.u32 v3, $0x3  }
0x263: {  	v4 =	vmul.u32 $0x30, v62  }
0x264: {  	v3 =	vand.u32 $0x7, v3  }
0x265: {  	v3 =	vor.u32 v3, v4  }
0x266: {  	v4 =	vperm.xlane v3, v0;
	_ =	sdelay $0x1  }
0x267: {  	v4 =	vadd.s32 v1, v4;
	_ =	sdelay $0x3  }
0x268: {  	v3 =	vperm.xlane v3, v2  }
0x269: {  	[hbm4b:s4+s2] =	stream.indirect_vreg.scatter [tilespmem:s14], [sflag:$0x2], $0x80, v4, vm0, $0xb8;
	[tilespmem:$0x18100] =	vst v63  }
0x26a: {  	s22 =	simm.s32 $0x12800;
	v3 =	vadd.s32 v1, v3  }
0x26b: {  	[hbm4b:s7+s2] =	stream.indirect_vreg.scatter [tilespmem:s22], [sflag:$0x2], $0x80, v4, vm0, $0xb8;
	[tilespmem:$0x18100] =	vst v63  }
0x26c: {  	s30 =	simm.s32 $0x13000  }
0x26d: {  	[hbm4b:s8+s2] =	stream.indirect_vreg.scatter [tilespmem:s30], [sflag:$0x2], $0x80, v4, vm0, $0xb8;
	[tilespmem:$0x18100] =	vst v63  }
0x26e: {  	s31 =	simm.s32 $0x13800  }
0x26f: {  	[hbm4b:s4+s2] =	stream.indirect_vreg.scatter [tilespmem:s31], [sflag:$0x2], $0x80, v3, vm0, $0xb8;
	[tilespmem:$0x18100] =	vst v63  }
0x270: {  	s23 =	simm.s32 $0x14000  }
0x271: {  	[hbm4b:s7+s2] =	stream.indirect_vreg.scatter [tilespmem:s23], [sflag:$0x2], $0x80, v3, vm0, $0xb8;
	[tilespmem:$0x18100] =	vst v63  }
0x272: {  	_ = 	snop  }
0x273: {  	[hbm4b:s8+s2] =	stream.indirect_vreg.scatter [tilespmem:s15], [sflag:$0x2], $0x80, v3, vm0, $0xb8;
	[tilespmem:$0x18100] =	vst v63  }
0x274: {  	v3 =	vld [tilespmem:$0x180F0];
	_ =	sdelay $0x4  }
0x275: {  	v63 =	vshrl.u32 v3, $0x3  }
0x276: {  	v4 =	vmul.u32 $0x30, v63  }
0x277: {  	v3 =	vand.u32 $0x7, v3  }
0x278: {  	v3 =	vor.u32 v3, v4  }
0x279: {  	v4 =	vperm.xlane v3, v0;
	_ =	sdelay $0x1  }
0x27a: {  	v4 =	vadd.s32 v1, v4;
	_ =	sdelay $0x3  }
0x27b: {  	v3 =	vperm.xlane v3, v2  }
0x27c: {  	[hbm4b:s4+s2] =	stream.indirect_vreg.scatter [tilespmem:s16], [sflag:$0x2], $0x80, v4, vm0, $0xb8;
	[tilespmem:$0x18100] =	vst v63  }
0x27d: {  	s28 =	simm.s32 $0x15800;
	v3 =	vadd.s32 v1, v3  }
0x27e: {  	[hbm4b:s7+s2] =	stream.indirect_vreg.scatter [tilespmem:s28], [sflag:$0x2], $0x80, v4, vm0, $0xb8;
	[tilespmem:$0x18100] =	vst v63  }
0x27f: {  	s24 =	simm.s32 $0x16000  }
0x280: {  	[hbm4b:s8+s2] =	stream.indirect_vreg.scatter [tilespmem:s24], [sflag:$0x2], $0x80, v4, vm0, $0xb8;
	[tilespmem:$0x18100] =	vst v63  }
0x281: {  	s25 =	simm.s32 $0x16800  }
0x282: {  	[hbm4b:s4+s2] =	stream.indirect_vreg.scatter [tilespmem:s25], [sflag:$0x2], $0x80, v3, vm0, $0xb8;
	[tilespmem:$0x18100] =	vst v63  }
0x283: {  	p0 =	sne.s32 s9, $0x1;
	s29 =	simm.s32 $0x17000  }
0x284: {  	[hbm4b:s7+s2] =	stream.indirect_vreg.scatter [tilespmem:s29], [sflag:$0x2], $0x80, v3, vm0, $0xb8;
	[tilespmem:$0x18100] =	vst v63  }
.Ltmp0:
0x285: {  	s26 =	simm.s32 $0x17800;
	(pc) =	sbr.rel @p0 .LBB2_1-.Ltmp0, $4  }
0x286: {  	[hbm4b:s8+s2] =	stream.indirect_vreg.scatter [tilespmem:s26], [sflag:$0x2], $0x80, v3, vm0, $0xb8;
	[tilespmem:$0x18100] =	vst v63  }
0x287: {  	_ =	swait.ge [sflag:s1], $0x18000  }
0x288: {  	[sflag:s1] =	ssyncset.done $0x0  }
0x289: {  	s9 =	sadd.s32 $0xFFFFFFFF, s9;
	[sflag:s1] =	ssyncadd.s32 $0xFFFE8000  }
0x28a: {  	_ =	sfence.sel $0x180000  }
0x28b: {  	[bflag:$0x0] =	sbarrier.arrive $0xFFFF  }
0x28c: {  	_ =	strace $0x9000004A  }
0x28d: {  	s0 =	stileid.u32;
	[bflag:$0x2] =	sbarrier.arrive $0xFFFF  }
0x28e: {  	p0 =	sne.s32 s0, $0x0;
	s0 =	rddreg [dreg:$0x2]  }
0x28f: {  	s0 =	sadd.s32 @!p0 $0x100000, s0  }
0x290: {  	[sflag:s0] =	ssyncadd.tile.s32 @!p0 $0x1;
	_ =	shalt  }
.Lfunc_end2:
_tile_overlayer_lowered:
.L_overlay_start_2:
0x291: {  	(tag) =	ssettag $0x2  }
0x292: {  	s0 =	rddreg [dreg:$0x0];
	s2 =	stileid.u32  }
0x293: {  	s1 =	rddreg [dreg:$0x1];
	p0 =	sne.s32 s2, $0x0  }
0x294: {  	s3 =	rddreg [dreg:$0x2];
	[bflag:$0x3] =	sbarrier.arrive $0xFFFF;
	s2 =	simm.s32 @!p0 $0x1C03  }
0x295: {  	[timem:s3], [sflag:s2] =	dma.local @!p0 [hbm:s0], s1  }
0x296: {  	s0 =	simm.s32 @!p0 $0x3  }
0x297: {  	_ =	swait.ge @!p0 [sflag:s0], s1  }
0x298: {  	s1 =	ssub.s32 @!p0 $0x0, s1;
	[sflag:s0] =	ssyncset.done @!p0 $0x0  }
0x299: {  	[sflag:s0] =	ssyncadd.s32 @!p0 s1  }
0x29a: {  	[bflag:$0x3] =	sbarrier.arrive $0xFFFF  }
0x29b: {  	_ =	shalt  }

// kernel: kernel.7.cloned.1.call-start
scs
__scs_entry_jumppad:
0x0: {  	(pc) =	sbr.rel $0x88, $3  }
0x1: {  	(tag) =	ssettag $0x0;
	lr =	simm.s32 $0x1  }
0x2: {  	[smem:$0x3F9D] =	sst lr;
	_ =	strace $0xD0000000  }
0x3: {  	_ = 	snop  }
0x4: {  	_ = 	snop  }
0x5: {  	_ = 	snop  }
0x6: {  	_ = 	snop  }
0x7: {  	_ = 	snop  }
__scs_overlays_trampoline_lowered:
0x8: {  	[smem:$0x3FAC] =	sst s0  }
0x9: {  	[smem:$0x3FAD] =	sst s1  }
0xa: {  	[smem:$0x3FAE] =	sst s2  }
0xb: {  	[smem:$0x3FAF] =	sst s3  }
0xc: {  	[smem:$0x3FB0] =	sst s4  }
0xd: {  	[smem:$0x3FB1] =	sst s5  }
0xe: {  	[smem:$0x3FB2] =	sst s6  }
0xf: {  	[smem:$0x3FB3] =	sst s7  }
0x10: {  	[smem:$0x3FB4] =	sst s8  }
0x11: {  	[smem:$0x3FB5] =	sst s9;
	s0 =	simm.s32 @!p0 $0x0  }
0x12: {  	s1 =	sld [smem:$0x3F9B];
	s0 =	simm.s32 @p0 $0x1  }
0x13: {  	[smem:$0x3FB6] =	sst s0;
	s0 =	simm.s32 @!p1 $0x0  }
0x14: {  	s2 =	sld [smem:$0x3F9A];
	s0 =	simm.s32 @p1 $0x1  }
0x15: {  	[smem:$0x3FB7] =	sst s0;
	s0 =	simm.s32 @!p2 $0x0  }
0x16: {  	s3 =	sld [smem:$0x3FDB];
	s0 =	simm.s32 @p2 $0x1  }
0x17: {  	s4 =	simm.s32 $0x1BF5;
	[smem:$0x3FB9] =	sst s0  }
0x18: {  	s0 =	sld [smem:$0x3F9C];
	_ =	swait.ge [sflag:s4], $0x0  }
0x19: {  	s7 =	sld [smem:$0x3F9D]  }
0x1a: {  	s8 =	sadd.s32 $0xFFFFE003, lr  }
0x1b: {  	s9 =	sadd.s32 $0xFFFFFEF7, lr;
	s5 =	simm.s32 $0xFFFFFFFF;
	p2 =	slt.u32 s8, $0xFFFFF086  }
0x1c: {  	p1 =	slt.u32 s9, $0xF7A;
	s5 =	simm.s32 @!p2 $0x0  }
0x1d: {  	s5 =	simm.s32 @p1 $0x1;
	p0 =	seq.s32 s7, s2  }
0x1e: {  	s7 =	smul.u32 @!p0 $0xF7A, s2;
	p2 =	seq.s32 @!p0 s5, $0x0  }
0x1f: {  	s9 =	smul.u32 $0xF7A, s1;
	s8 =	simm.s32 @!p0 $0x1BF5;
	p2 =	por !p2, p0  }
0x20: {  	[sflag:s8] =	ssyncset.s32 @!p0 $0xFFFFF086;
	s6 =	sadd.s32 @!p0 s3, s7;
	s7 =	simm.s32 @!p0 $0x108  }
0x21: {  	s3 =	sadd.s32 s3, s9;
	s6 =	sadd.s32 @!p0 $0x88, s6;
	s7 =	simm.s32 @p2 $0x1082  }
0x22: {  	[simem:s7], [sflag:s8] =	dma.local @!p0 [hbm:s6], $0xF7A  }
0x23: {  	s9 =	sor.u32 $0xD0000000, s2;
	s6 =	simm.s32 $0x108;
	_ =	swait.ge @!p0 [sflag:s8], $0x0  }
0x24: {  	s3 =	sadd.s32 $0x88, s3;
	s6 =	simm.s32 @!p1 $0x1082;
	[sflag:s4] =	ssyncset.s32 $0xFFFFF086  }
0x25: {  	[simem:s6], [sflag:s4] =	dma.local [hbm:s3], $0xF7A  }
0x26: {  	[smem:$0x3F9D] =	sst s1;
	(tag) =	ssettag s2;
	_ =	strace s9  }
0x27: {  	s1 =	sld [smem:$0x3FAD]  }
0x28: {  	s2 =	sld [smem:$0x3FAE]  }
0x29: {  	s4 =	sld [smem:$0x3FB0]  }
0x2a: {  	p0 =	seq.s32 s5, $0x0;
	s5 =	sld [smem:$0x3FB1]  }
0x2b: {  	s6 =	sld [smem:$0x3FB2]  }
0x2c: {  	s7 =	sld [smem:$0x3FB3]  }
0x2d: {  	s3 =	simm.s32 $0x108;
	s8 =	sld [smem:$0x3FB4]  }
0x2e: {  	s3 =	simm.s32 @!p0 $0x1082;
	s9 =	sld [smem:$0x3FB5]  }
0x2f: {  	lr =	sadd.s32 s0, s3;
	s0 =	sld [smem:$0x3FAC]  }
0x30: {  	s3 =	sld [smem:$0x3FAF]  }
0x31: {  	[smem:$0x3FB8] =	sst s10  }
0x32: {  	s10 =	sld [smem:$0x3FB6];
	_ =	sdelay $0x3  }
0x33: {  	p0 =	seq.s32 s10, $0x1;
	s10 =	sld [smem:$0x3FB8];
	_ =	sdelay $0x3  }
0x34: {  	[smem:$0x3FB8] =	sst s10  }
0x35: {  	s10 =	sld [smem:$0x3FB7];
	_ =	sdelay $0x3  }
0x36: {  	p1 =	seq.s32 s10, $0x1;
	s10 =	sld [smem:$0x3FB8];
	_ =	sdelay $0x3  }
0x37: {  	[smem:$0x3FB8] =	sst s10  }
0x38: {  	s10 =	sld [smem:$0x3FB9]  }
0x39: {  	_ = 	snop;
	(pc) =	sbr.ind lr, $3  }
0x3a: {  	_ = 	snop  }
0x3b: {  	_ = 	snop  }
0x3c: {  	p2 =	seq.s32 s10, $0x1;
	s10 =	sld [smem:$0x3FB8]  }
0x3d: {  	_ =	shalt  }
0x3e: {  	_ =	shalt  }
0x3f: {  	_ =	shalt  }
0x40: {  	_ =	shalt  }
0x41: {  	_ =	shalt  }
0x42: {  	_ =	shalt  }
0x43: {  	_ =	shalt  }
0x44: {  	_ =	shalt  }
0x45: {  	_ =	shalt  }
0x46: {  	_ =	shalt  }
0x47: {  	_ =	shalt  }
0x48: {  	_ =	shalt  }
0x49: {  	_ =	shalt  }
0x4a: {  	_ =	shalt  }
0x4b: {  	_ =	shalt  }
0x4c: {  	_ =	shalt  }
0x4d: {  	_ =	shalt  }
0x4e: {  	_ =	shalt  }
0x4f: {  	_ =	shalt  }
0x50: {  	_ =	shalt  }
0x51: {  	_ =	shalt  }
0x52: {  	_ =	shalt  }
0x53: {  	_ =	shalt  }
0x54: {  	_ =	shalt  }
0x55: {  	_ =	shalt  }
0x56: {  	_ =	shalt  }
0x57: {  	_ =	shalt  }
0x58: {  	_ =	shalt  }
0x59: {  	_ =	shalt  }
0x5a: {  	_ =	shalt  }
0x5b: {  	_ =	shalt  }
0x5c: {  	_ =	shalt  }
0x5d: {  	_ =	shalt  }
0x5e: {  	_ =	shalt  }
0x5f: {  	_ =	shalt  }
0x60: {  	_ =	shalt  }
0x61: {  	_ =	shalt  }
0x62: {  	_ =	shalt  }
0x63: {  	_ =	shalt  }
0x64: {  	_ =	shalt  }
0x65: {  	_ =	shalt  }
0x66: {  	_ =	shalt  }
0x67: {  	_ =	shalt  }
0x68: {  	_ =	shalt  }
0x69: {  	_ =	shalt  }
0x6a: {  	_ =	shalt  }
0x6b: {  	_ =	shalt  }
0x6c: {  	_ =	shalt  }
0x6d: {  	_ =	shalt  }
0x6e: {  	_ =	shalt  }
0x6f: {  	_ =	shalt  }
0x70: {  	_ =	shalt  }
0x71: {  	_ =	shalt  }
0x72: {  	_ =	shalt  }
0x73: {  	_ =	shalt  }
0x74: {  	_ =	shalt  }
0x75: {  	_ =	shalt  }
0x76: {  	_ =	shalt  }
0x77: {  	_ =	shalt  }
0x78: {  	_ =	shalt  }
0x79: {  	_ =	shalt  }
0x7a: {  	_ =	shalt  }
0x7b: {  	_ =	shalt  }
0x7c: {  	_ =	shalt  }
0x7d: {  	_ =	shalt  }
0x7e: {  	_ =	shalt  }
0x7f: {  	_ =	shalt  }
0x80: {  	_ =	shalt  }
0x81: {  	_ =	shalt  }
0x82: {  	_ =	shalt  }
0x83: {  	_ =	shalt  }
0x84: {  	_ =	shalt  }
0x85: {  	_ =	shalt  }
0x86: {  	_ =	shalt  }
0x87: {  	_ =	shalt  }
.Lfunc_end0:
.L_simem_size_0:
called_computation_lowered:
.L_overlay_start_0:
0x88: {  	s2 =	sld [smem:$0x3FD9]  }
0x89: {  	s3 =	sld [smem:$0x3FFE];
	_ =	sdelay $0x1  }
0x8a: {  	s1 =	srdreg.scid  }
0x8b: {  	s0 =	sand.u32 $0x1, s1  }
0x8c: {  	s17 =	sshll.u32 s0, $0xA;
	s2 =	sadd.s32 s3, s2  }
0x8d: {  	s2 =	sadd.s32 s2, s17  }
0x8e: {  	[smem:$0x3FC4] =	sst s2  }
0x8f: {  	_ = 	snop  }
0x90: {  	s2 =	sld [smem:$0x3FC9]  }
0x91: {  	s18 =	sld [smem:$0x3FD0];
	(tm) =	ssettm $0x1  }
0x92: {  	s4 =	sld [smem:$0x3FFB];
	_ =	sdelay $0x3  }
0x93: {  	_ =	strace s4  }
0x94: {  	s4 =	sld [smem:$0x3FFC];
	_ =	sdelay $0x3  }
0x95: {  	_ =	strace s4  }
0x96: {  	s4 =	sld [smem:$0x3FFD];
	_ =	sdelay $0x3  }
0x97: {  	_ =	strace s4  }
0x98: {  	_ =	strace $0x8FFFFFFF  }
0x99: {  	s19 =	sld [smem:$0x3FDB];
	_ =	sdelay $0x1  }
0x9a: {  	s5 =	simm.s32 $_scs_section_size  }
0x9b: {  	s6 =	simm.s32 $_size__tile_overlayer_lowered;
	s7 =	simm.s32 $_tile_overlayer_lowered  }
0x9c: {  	s22 =	simm.s32 $0x1BFF;
	s21 =	sshll.u32 s7, $0x1;
	s4 =	sadd.s32 s5, s19  }
0x9d: {  	s8 =	simm.s32 $0x0;
	s20 =	sshll.u32 s6, $0x1;
	s6 =	sadd.s32 s21, s4  }
0x9e: {  	[timem:s8], [sflag:s22] =	dma.local [hbm:s6], s20  }
0x9f: {  	_ =	swait.ge [sflag:s22], s20  }
0xa0: {  	s5 =	ssub.s32 $0x0, s20;
	[sflag:s22] =	ssyncset.done $0x0  }
0xa1: {  	[sflag:s22] =	ssyncadd.s32 s5;
	_ =	sdelay $0x1  }
0xa2: {  	s23 =	simm.s32 $0x1B8B  }
0xa3: {  	_ =	swait.ge [sflag:s23], $0x1  }
0xa4: {  	[sflag:s23] =	ssyncset.done $0x0  }
0xa5: {  	s25 =	simm.s32 $0x1B8E;
	s24 =	sld [smem:$0x3FFE];
	[sflag:s23] =	ssyncadd.s32 $0xFFFFFFFF  }
0xa6: {  	s26 =	simm.s32 $execute0_lowered;
	[smem:$0x3FD2] =	sst s25  }
0xa7: {  	s6 =	sshll.u32 s26, $0x1;
	_ =	strace $0x80000046;
	[dreg:$0x1] =	wrdreg $0xFFFFFFFF  }
0xa8: {  	s28 =	simm.s32 $_size_execute0_lowered;
	s4 =	sadd.s32 s4, s6;
	[dreg:$0x0] =	wrdreg $0x0  }
0xa9: {  	s6 =	sshll.u32 s28, $0x1;
	[dreg:$0x2] =	wrdreg s4  }
0xaa: {  	[dreg:$0x3] =	wrdreg s6  }
0xab: {  	[dreg:$0x4] =	wrdreg $0xC0  }
0xac: {  	_ =	task [dreg:s8], $0x5FFFF  }
0xad: {  	[dreg:$0x1] =	wrdreg $0xFFFFFFFF  }
0xae: {  	[dreg:$0x0] =	wrdreg $0x60  }
0xaf: {  	[dreg:$0x2] =	wrdreg s2  }
0xb0: {  	[dreg:$0x3] =	wrdreg s18  }
0xb1: {  	[dreg:$0x4] =	wrdreg s24  }
0xb2: {  	[dreg:$0x5] =	wrdreg $0x9  }
0xb3: {  	_ =	task.clear_ibuf [dreg:s8], $0x6FFFF;
	_ =	strace $0x90000046  }
0xb4: {  	s29 =	simm.s32 $0x9;
	_ =	strace $0x80000048  }
0xb5: {  	_ =	swait.ge [sflag:s29], $0x1  }
0xb6: {  	[sflag:s29] =	ssyncadd.s32 $0xFFFFFFFF  }
0xb7: {  	_ =	strace $0x90000048  }
0xb8: {  	_ =	sfence  }
0xb9: {  	s30 =	sld [smem:$0x0];
	_ =	sdelay $0x2  }
0xba: {  	s31 =	sshll.u32 s1, $0xD;
	s1 =	sshrl.u32 s1, $0x2  }
0xbb: {  	s3 =	sand.u32 $0x4000, s31;
	s1 =	sadd.s32 s1, s30  }
0xbc: {  	s0 =	sor.u32 s3, s0;
	s1 =	sshll.u32 s1, $0x11  }
0xbd: {  	s0 =	sor.u32 s1, s0  }
0xbe: {  	s0 =	sadd.s32 $0x8F2B, s0  }
0xbf: {  	[sflag:s0] =	ssyncadd.remote.s32 $0x1  }
0xc0: {  	_ =	sfence.sel $0xFFFF  }
0xc1: {  	[dreg:$0x0] =	wrdreg $0xFFFFFFFF;
	(pc) =	sbr.abs _section_cstart, $3  }
0xc2: {  	[dreg:$0x1] =	wrdreg $0xFFFFFFFF  }
0xc3: {  	_ =	task.clear_ibuf [dreg:s8], $0x2FFFF;
	_ =	strace $0x9FFFFFFF  }
0xc4: {  	(tm) =	ssettm $0x7FFFFFFF  }
0xc5: {  	_ =	shalt  }
tec
execute0_lowered:
.L_overlay_start_1:
0x0: {  	(tag) =	ssettag $0x1  }
0x1: {  	s0 =	rddreg [dreg:$0x0]  }
0x2: {  	s1 =	rddreg [dreg:$0x1]  }
0x3: {  	s5 =	rddreg [dreg:$0x2]  }
0x4: {  	s3 =	srdreg.scid;
	s2 =	simm.s32 $0x0;
	s4 =	stileid.u32  }
0x5: {  	s25 =	simm.s32 $0x18000;
	s26 =	simm.s32 $0x18080;
	s9 =	simm.s32 $0x1800  }
0x6: {  	s10 =	simm.s32 $0x2000;
	s11 =	simm.s32 $0x2800;
	s12 =	simm.s32 $0x3000  }
0x7: {  	s13 =	simm.s32 $0x3800;
	s14 =	simm.s32 $0x4000;
	s15 =	simm.s32 $0x4800  }
0x8: {  	s16 =	simm.s32 $0x5000;
	s17 =	simm.s32 $0x5800;
	s18 =	simm.s32 $0x6000  }
0x9: {  	s19 =	simm.s32 $0x6800;
	s20 =	simm.s32 $0x7000;
	s21 =	simm.s32 $0x7800  }
0xa: {  	s28 =	simm.s32 $0xA800;
	s29 =	simm.s32 $0xB000;
	s30 =	simm.s32 $0xB800  }
0xb: {  	s31 =	simm.s32 $0xC000;
	s3 =	sand.u32 $0x1, s3;
	[smem:$0x7FF] =	sst s2  }
0xc: {  	s4 =	sshll.u32 s4, $0x5;
	s6 =	sshll.u32 s3, $0x4;
	_ =	strace $0x80000047  }
0xd: {  	s7 =	ssub.s32 $0x2, s3;
	s3 =	sadd.s32 $0x1000, s5;
	[dreg:$0x7] =	wrdreg s25  }
0xe: {  	[dreg:$0x8] =	wrdreg s26;
	s25 =	simm.s32 $0x9800;
	s4 =	sor.u32 s6, s4  }
0xf: {  	s26 =	simm.s32 $0xA000;
	s23 =	sshrl.u32 s7, $0x1;
	s6 =	sadd.s32 s4, s5  }
0x10: {  	s1 =	sadd.s32 s1, s4;
	s4 =	smul.u32 $0x300, s4;
	s24 =	ssub.s32 s7, s23  }
0x11: {  	s7 =	simm.s32 $0x3;
	s23 =	simm.s32 $0x8800;
	[dreg:$0x4] =	wrdreg s1  }
0x12: {  	v2 =	vlaneseq.u32;
	s22 =	sadd.s32 $0xE00, s6;
	s6 =	smax.u32 s24, $0x1;
	s24 =	simm.s32 $0x9000  }
0x13: {  	vm0 =	vmmov $0xffff;
	v1 =	vshrl.u32 v2, $0x3;
	[dreg:$0x5] =	wrdreg s22;
	s0 =	sadd.s32 s0, s4;
	s4 =	sadd.s32 $0x1100, s5  }
0x14: {  	v0 =	vand.u32 $0x7, v2;
	v2 =	vor.u32 $0x8, v2;
	v1 =	vmul.u32 $0x8, v1;
	s5 =	sadd.s32 $0x1200, s5;
	s22 =	simm.s32 $0x8000;
	[dreg:$0x6] =	wrdreg s0  }
.LBB2_1:
0x15: {  	s1 =	rddreg [dreg:$0x4]  }
0x16: {  	s8 =	rddreg [dreg:$0x7]  }
0x17: {  	[tilespmem:s8], [sflag:$0x3] =	stream.linear.gather [hbm4b:s1+s2], $0x80, $0x38;
	[tilespmem:$0x18100] =	vst v63  }
0x18: {  	_ =	swait.ge [sflag:s7], $0x80  }
0x19: {  	s8 =	rddreg [dreg:$0x5];
	[sflag:s7] =	ssyncset.done $0x0  }
0x1a: {  	s0 =	rddreg [dreg:$0x8];
	[sflag:s7] =	ssyncadd.s32 $0xFFFFFF80  }
0x1b: {  	[tilespmem:s0], [sflag:$0x3] =	stream.linear.gather [hbm4b:s8+s2], $0x80, $0x38;
	[tilespmem:$0x18100] =	vst v63  }
0x1c: {  	_ =	swait.ge [sflag:s7], $0x80  }
0x1d: {  	[sflag:s7] =	ssyncset.done $0x0  }
0x1e: {  	s0 =	rddreg [dreg:$0x6];
	[sflag:s7] =	ssyncadd.s32 $0xFFFFFF80  }
0x1f: {  	[tilespmem:s2], [sflag:$0x3] =	stream.linear.gather [hbm4b:s0+s2], $0x18000, $0x38;
	[tilespmem:$0x18100] =	vst v63  }
0x20: {  	_ =	swait.ge [sflag:s7], $0x18000  }
0x21: {  	[sflag:s7] =	ssyncset.done $0x0  }
0x22: {  	[sflag:s7] =	ssyncadd.s32 $0xFFFE8000  }
0x23: {  	v3 =	vld [tilespmem:$0x18000];
	_ =	sdelay $0x4  }
0x24: {  	v4 =	vshrl.u32 v3, $0x3  }
0x25: {  	v4 =	vmul.u32 $0x30, v4  }
0x26: {  	v3 =	vand.u32 $0x7, v3  }
0x27: {  	v3 =	vor.u32 v3, v4  }
0x28: {  	v4 =	vperm.xlane v3, v0;
	_ =	sdelay $0x1  }
0x29: {  	v4 =	vadd.s32 v1, v4;
	_ =	sdelay $0x3  }
0x2a: {  	v3 =	vperm.xlane v3, v2  }
0x2b: {  	[hbm4b:s3+s2] =	stream.indirect_vreg.scatter [tilespmem:s2], [sflag:$0x1], $0x80, v4, vm0, $0xb8;
	[tilespmem:$0x18100] =	vst v63  }
0x2c: {  	s1 =	simm.s32 $0x800;
	v3 =	vadd.s32 v1, v3  }
0x2d: {  	[hbm4b:s4+s2] =	stream.indirect_vreg.scatter [tilespmem:s1], [sflag:$0x1], $0x80, v4, vm0, $0xb8;
	[tilespmem:$0x18100] =	vst v63  }
0x2e: {  	s8 =	simm.s32 $0x1000  }
0x2f: {  	[hbm4b:s5+s2] =	stream.indirect_vreg.scatter [tilespmem:s8], [sflag:$0x1], $0x80, v4, vm0, $0xb8;
	[tilespmem:$0x18100] =	vst v63  }
0x30: {  	_ = 	snop  }
0x31: {  	[hbm4b:s3+s2] =	stream.indirect_vreg.scatter [tilespmem:s9], [sflag:$0x1], $0x80, v3, vm0, $0xb8;
	[tilespmem:$0x18100] =	vst v63  }
0x32: {  	_ = 	snop  }
0x33: {  	[hbm4b:s4+s2] =	stream.indirect_vreg.scatter [tilespmem:s10], [sflag:$0x1], $0x80, v3, vm0, $0xb8;
	[tilespmem:$0x18100] =	vst v63  }
0x34: {  	_ = 	snop  }
0x35: {  	[hbm4b:s5+s2] =	stream.indirect_vreg.scatter [tilespmem:s11], [sflag:$0x1], $0x80, v3, vm0, $0xb8;
	[tilespmem:$0x18100] =	vst v63  }
0x36: {  	v3 =	vld [tilespmem:$0x18010];
	_ =	sdelay $0x4  }
0x37: {  	v49 =	vshrl.u32 v3, $0x3  }
0x38: {  	v4 =	vmul.u32 $0x30, v49  }
0x39: {  	v3 =	vand.u32 $0x7, v3  }
0x3a: {  	v3 =	vor.u32 v3, v4  }
0x3b: {  	v4 =	vperm.xlane v3, v0;
	_ =	sdelay $0x1  }
0x3c: {  	v4 =	vadd.s32 v1, v4;
	_ =	sdelay $0x3  }
0x3d: {  	v3 =	vperm.xlane v3, v2  }
0x3e: {  	[hbm4b:s3+s2] =	stream.indirect_vreg.scatter [tilespmem:s12], [sflag:$0x1], $0x80, v4, vm0, $0xb8;
	[tilespmem:$0x18100] =	vst v63  }
0x3f: {  	v3 =	vadd.s32 v1, v3  }
0x40: {  	[hbm4b:s4+s2] =	stream.indirect_vreg.scatter [tilespmem:s13], [sflag:$0x1], $0x80, v4, vm0, $0xb8;
	[tilespmem:$0x18100] =	vst v63  }
0x41: {  	_ = 	snop  }
0x42: {  	[hbm4b:s5+s2] =	stream.indirect_vreg.scatter [tilespmem:s14], [sflag:$0x1], $0x80, v4, vm0, $0xb8;
	[tilespmem:$0x18100] =	vst v63  }
0x43: {  	_ = 	snop  }
0x44: {  	[hbm4b:s3+s2] =	stream.indirect_vreg.scatter [tilespmem:s15], [sflag:$0x1], $0x80, v3, vm0, $0xb8;
	[tilespmem:$0x18100] =	vst v63  }
0x45: {  	_ = 	snop  }
0x46: {  	[hbm4b:s4+s2] =	stream.indirect_vreg.scatter [tilespmem:s16], [sflag:$0x1], $0x80, v3, vm0, $0xb8;
	[tilespmem:$0x18100] =	vst v63  }
0x47: {  	_ = 	snop  }
0x48: {  	[hbm4b:s5+s2] =	stream.indirect_vreg.scatter [tilespmem:s17], [sflag:$0x1], $0x80, v3, vm0, $0xb8;
	[tilespmem:$0x18100] =	vst v63  }
0x49: {  	v3 =	vld [tilespmem:$0x18020];
	_ =	sdelay $0x4  }
0x4a: {  	v50 =	vshrl.u32 v3, $0x3  }
0x4b: {  	v4 =	vmul.u32 $0x30, v50  }
0x4c: {  	v3 =	vand.u32 $0x7, v3  }
0x4d: {  	v3 =	vor.u32 v3, v4  }
0x4e: {  	v4 =	vperm.xlane v3, v0;
	_ =	sdelay $0x1  }
0x4f: {  	v4 =	vadd.s32 v1, v4;
	_ =	sdelay $0x3  }
0x50: {  	v3 =	vperm.xlane v3, v2  }
0x51: {  	[hbm4b:s3+s2] =	stream.indirect_vreg.scatter [tilespmem:s18], [sflag:$0x1], $0x80, v4, vm0, $0xb8;
	[tilespmem:$0x18100] =	vst v63  }
0x52: {  	v3 =	vadd.s32 v1, v3  }
0x53: {  	[hbm4b:s4+s2] =	stream.indirect_vreg.scatter [tilespmem:s19], [sflag:$0x1], $0x80, v4, vm0, $0xb8;
	[tilespmem:$0x18100] =	vst v63  }
0x54: {  	_ = 	snop  }
0x55: {  	[hbm4b:s5+s2] =	stream.indirect_vreg.scatter [tilespmem:s20], [sflag:$0x1], $0x80, v4, vm0, $0xb8;
	[tilespmem:$0x18100] =	vst v63  }
0x56: {  	_ = 	snop  }
0x57: {  	[hbm4b:s3+s2] =	stream.indirect_vreg.scatter [tilespmem:s21], [sflag:$0x1], $0x80, v3, vm0, $0xb8;
	[tilespmem:$0x18100] =	vst v63  }
0x58: {  	_ = 	snop  }
0x59: {  	[hbm4b:s4+s2] =	stream.indirect_vreg.scatter [tilespmem:s22], [sflag:$0x1], $0x80, v3, vm0, $0xb8;
	[tilespmem:$0x18100] =	vst v63  }
0x5a: {  	_ = 	snop  }
0x5b: {  	[hbm4b:s5+s2] =	stream.indirect_vreg.scatter [tilespmem:s23], [sflag:$0x1], $0x80, v3, vm0, $0xb8;
	[tilespmem:$0x18100] =	vst v63  }
0x5c: {  	v3 =	vld [tilespmem:$0x18030];
	_ =	sdelay $0x4  }
0x5d: {  	v51 =	vshrl.u32 v3, $0x3  }
0x5e: {  	v4 =	vmul.u32 $0x30, v51  }
0x5f: {  	v3 =	vand.u32 $0x7, v3  }
0x60: {  	v3 =	vor.u32 v3, v4  }
0x61: {  	v4 =	vperm.xlane v3, v0;
	_ =	sdelay $0x1  }
0x62: {  	v4 =	vadd.s32 v1, v4;
	_ =	sdelay $0x3  }
0x63: {  	v3 =	vperm.xlane v3, v2  }
0x64: {  	[hbm4b:s3+s2] =	stream.indirect_vreg.scatter [tilespmem:s24], [sflag:$0x1], $0x80, v4, vm0, $0xb8;
	[tilespmem:$0x18100] =	vst v63  }
0x65: {  	v3 =	vadd.s32 v1, v3  }
0x66: {  	[hbm4b:s4+s2] =	stream.indirect_vreg.scatter [tilespmem:s25], [sflag:$0x1], $0x80, v4, vm0, $0xb8;
	[tilespmem:$0x18100] =	vst v63  }
0x67: {  	_ = 	snop  }
0x68: {  	[hbm4b:s5+s2] =	stream.indirect_vreg.scatter [tilespmem:s26], [sflag:$0x1], $0x80, v4, vm0, $0xb8;
	[tilespmem:$0x18100] =	vst v63  }
0x69: {  	_ = 	snop  }
0x6a: {  	[hbm4b:s3+s2] =	stream.indirect_vreg.scatter [tilespmem:s28], [sflag:$0x1], $0x80, v3, vm0, $0xb8;
	[tilespmem:$0x18100] =	vst v63  }
0x6b: {  	_ = 	snop  }
0x6c: {  	[hbm4b:s4+s2] =	stream.indirect_vreg.scatter [tilespmem:s29], [sflag:$0x1], $0x80, v3, vm0, $0xb8;
	[tilespmem:$0x18100] =	vst v63  }
0x6d: {  	_ = 	snop  }
0x6e: {  	[hbm4b:s5+s2] =	stream.indirect_vreg.scatter [tilespmem:s30], [sflag:$0x1], $0x80, v3, vm0, $0xb8;
	[tilespmem:$0x18100] =	vst v63  }
0x6f: {  	v3 =	vld [tilespmem:$0x18040];
	_ =	sdelay $0x4  }
0x70: {  	v52 =	vshrl.u32 v3, $0x3  }
0x71: {  	v4 =	vmul.u32 $0x30, v52  }
0x72: {  	v3 =	vand.u32 $0x7, v3  }
0x73: {  	v3 =	vor.u32 v3, v4  }
0x74: {  	v4 =	vperm.xlane v3, v0;
	_ =	sdelay $0x1  }
0x75: {  	v4 =	vadd.s32 v1, v4;
	_ =	sdelay $0x3  }
0x76: {  	v3 =	vperm.xlane v3, v2  }
0x77: {  	[hbm4b:s3+s2] =	stream.indirect_vreg.scatter [tilespmem:s31], [sflag:$0x1], $0x80, v4, vm0, $0xb8;
	[tilespmem:$0x18100] =	vst v63  }
0x78: {  	s0 =	simm.s32 $0xC800;
	v3 =	vadd.s32 v1, v3  }
0x79: {  	[hbm4b:s4+s2] =	stream.indirect_vreg.scatter [tilespmem:s0], [sflag:$0x1], $0x80, v4, vm0, $0xb8;
	[tilespmem:$0x18100] =	vst v63  }
0x7a: {  	s0 =	simm.s32 $0xD000  }
0x7b: {  	[hbm4b:s5+s2] =	stream.indirect_vreg.scatter [tilespmem:s0], [sflag:$0x1], $0x80, v4, vm0, $0xb8;
	[tilespmem:$0x18100] =	vst v63  }
0x7c: {  	s0 =	simm.s32 $0xD800  }
0x7d: {  	[hbm4b:s3+s2] =	stream.indirect_vreg.scatter [tilespmem:s0], [sflag:$0x1], $0x80, v3, vm0, $0xb8;
	[tilespmem:$0x18100] =	vst v63  }
0x7e: {  	s0 =	simm.s32 $0xE000  }
0x7f: {  	[hbm4b:s4+s2] =	stream.indirect_vreg.scatter [tilespmem:s0], [sflag:$0x1], $0x80, v3, vm0, $0xb8;
	[tilespmem:$0x18100] =	vst v63  }
0x80: {  	s0 =	simm.s32 $0xE800  }
0x81: {  	[hbm4b:s5+s2] =	stream.indirect_vreg.scatter [tilespmem:s0], [sflag:$0x1], $0x80, v3, vm0, $0xb8;
	[tilespmem:$0x18100] =	vst v63  }
0x82: {  	v3 =	vld [tilespmem:$0x18050];
	_ =	sdelay $0x4  }
0x83: {  	v53 =	vshrl.u32 v3, $0x3  }
0x84: {  	v4 =	vmul.u32 $0x30, v53  }
0x85: {  	v3 =	vand.u32 $0x7, v3  }
0x86: {  	v3 =	vor.u32 v3, v4  }
0x87: {  	v4 =	vperm.xlane v3, v0;
	_ =	sdelay $0x1  }
0x88: {  	v4 =	vadd.s32 v1, v4;
	_ =	sdelay $0x3  }
0x89: {  	s0 =	simm.s32 $0xF000;
	v3 =	vperm.xlane v3, v2  }
0x8a: {  	[hbm4b:s3+s2] =	stream.indirect_vreg.scatter [tilespmem:s0], [sflag:$0x1], $0x80, v4, vm0, $0xb8;
	[tilespmem:$0x18100] =	vst v63  }
0x8b: {  	v3 =	vadd.s32 v1, v3;
	s0 =	simm.s32 $0xF800  }
0x8c: {  	[hbm4b:s4+s2] =	stream.indirect_vreg.scatter [tilespmem:s0], [sflag:$0x1], $0x80, v4, vm0, $0xb8;
	[tilespmem:$0x18100] =	vst v63  }
0x8d: {  	s0 =	simm.s32 $0x10000  }
0x8e: {  	[hbm4b:s5+s2] =	stream.indirect_vreg.scatter [tilespmem:s0], [sflag:$0x1], $0x80, v4, vm0, $0xb8;
	[tilespmem:$0x18100] =	vst v63  }
0x8f: {  	s0 =	simm.s32 $0x10800  }
0x90: {  	[hbm4b:s3+s2] =	stream.indirect_vreg.scatter [tilespmem:s0], [sflag:$0x1], $0x80, v3, vm0, $0xb8;
	[tilespmem:$0x18100] =	vst v63  }
0x91: {  	s0 =	simm.s32 $0x11000  }
0x92: {  	[hbm4b:s4+s2] =	stream.indirect_vreg.scatter [tilespmem:s0], [sflag:$0x1], $0x80, v3, vm0, $0xb8;
	[tilespmem:$0x18100] =	vst v63  }
0x93: {  	s0 =	simm.s32 $0x11800  }
0x94: {  	[hbm4b:s5+s2] =	stream.indirect_vreg.scatter [tilespmem:s0], [sflag:$0x1], $0x80, v3, vm0, $0xb8;
	[tilespmem:$0x18100] =	vst v63  }
0x95: {  	v3 =	vld [tilespmem:$0x18060];
	_ =	sdelay $0x4  }
0x96: {  	v54 =	vshrl.u32 v3, $0x3  }
0x97: {  	v4 =	vmul.u32 $0x30, v54  }
0x98: {  	v3 =	vand.u32 $0x7, v3  }
0x99: {  	v3 =	vor.u32 v3, v4  }
0x9a: {  	v4 =	vperm.xlane v3, v0;
	_ =	sdelay $0x1  }
0x9b: {  	v4 =	vadd.s32 v1, v4;
	_ =	sdelay $0x3  }
0x9c: {  	s0 =	simm.s32 $0x12000;
	v3 =	vperm.xlane v3, v2  }
0x9d: {  	[hbm4b:s3+s2] =	stream.indirect_vreg.scatter [tilespmem:s0], [sflag:$0x1], $0x80, v4, vm0, $0xb8;
	[tilespmem:$0x18100] =	vst v63  }
0x9e: {  	v3 =	vadd.s32 v1, v3;
	s0 =	simm.s32 $0x12800  }
0x9f: {  	[hbm4b:s4+s2] =	stream.indirect_vreg.scatter [tilespmem:s0], [sflag:$0x1], $0x80, v4, vm0, $0xb8;
	[tilespmem:$0x18100] =	vst v63  }
0xa0: {  	s0 =	simm.s32 $0x13000  }
0xa1: {  	[hbm4b:s5+s2] =	stream.indirect_vreg.scatter [tilespmem:s0], [sflag:$0x1], $0x80, v4, vm0, $0xb8;
	[tilespmem:$0x18100] =	vst v63  }
0xa2: {  	s0 =	simm.s32 $0x13800  }
0xa3: {  	[hbm4b:s3+s2] =	stream.indirect_vreg.scatter [tilespmem:s0], [sflag:$0x1], $0x80, v3, vm0, $0xb8;
	[tilespmem:$0x18100] =	vst v63  }
0xa4: {  	s0 =	simm.s32 $0x14000  }
0xa5: {  	[hbm4b:s4+s2] =	stream.indirect_vreg.scatter [tilespmem:s0], [sflag:$0x1], $0x80, v3, vm0, $0xb8;
	[tilespmem:$0x18100] =	vst v63  }
0xa6: {  	s0 =	simm.s32 $0x14800  }
0xa7: {  	[hbm4b:s5+s2] =	stream.indirect_vreg.scatter [tilespmem:s0], [sflag:$0x1], $0x80, v3, vm0, $0xb8;
	[tilespmem:$0x18100] =	vst v63  }
0xa8: {  	v3 =	vld [tilespmem:$0x18070];
	_ =	sdelay $0x4  }
0xa9: {  	v55 =	vshrl.u32 v3, $0x3  }
0xaa: {  	v4 =	vmul.u32 $0x30, v55  }
0xab: {  	v3 =	vand.u32 $0x7, v3  }
0xac: {  	v3 =	vor.u32 v3, v4  }
0xad: {  	v4 =	vperm.xlane v3, v0;
	_ =	sdelay $0x1  }
0xae: {  	v4 =	vadd.s32 v1, v4;
	_ =	sdelay $0x3  }
0xaf: {  	s0 =	simm.s32 $0x15000;
	v3 =	vperm.xlane v3, v2  }
0xb0: {  	[hbm4b:s3+s2] =	stream.indirect_vreg.scatter [tilespmem:s0], [sflag:$0x1], $0x80, v4, vm0, $0xb8;
	[tilespmem:$0x18100] =	vst v63  }
0xb1: {  	v3 =	vadd.s32 v1, v3;
	s0 =	simm.s32 $0x15800  }
0xb2: {  	[hbm4b:s4+s2] =	stream.indirect_vreg.scatter [tilespmem:s0], [sflag:$0x1], $0x80, v4, vm0, $0xb8;
	[tilespmem:$0x18100] =	vst v63  }
0xb3: {  	s0 =	simm.s32 $0x16000  }
0xb4: {  	[hbm4b:s5+s2] =	stream.indirect_vreg.scatter [tilespmem:s0], [sflag:$0x1], $0x80, v4, vm0, $0xb8;
	[tilespmem:$0x18100] =	vst v63  }
0xb5: {  	s0 =	simm.s32 $0x16800  }
0xb6: {  	[hbm4b:s3+s2] =	stream.indirect_vreg.scatter [tilespmem:s0], [sflag:$0x1], $0x80, v3, vm0, $0xb8;
	[tilespmem:$0x18100] =	vst v63  }
0xb7: {  	s0 =	simm.s32 $0x17000  }
0xb8: {  	[hbm4b:s4+s2] =	stream.indirect_vreg.scatter [tilespmem:s0], [sflag:$0x1], $0x80, v3, vm0, $0xb8;
	[tilespmem:$0x18100] =	vst v63  }
0xb9: {  	s0 =	simm.s32 $0x17800  }
0xba: {  	[hbm4b:s5+s2] =	stream.indirect_vreg.scatter [tilespmem:s0], [sflag:$0x1], $0x80, v3, vm0, $0xb8;
	[tilespmem:$0x18100] =	vst v63  }
0xbb: {  	v3 =	vld [tilespmem:$0x18080];
	_ =	sdelay $0x4  }
0xbc: {  	v56 =	vshrl.u32 v3, $0x3  }
0xbd: {  	v4 =	vmul.u32 $0x30, v56  }
0xbe: {  	v3 =	vand.u32 $0x7, v3  }
0xbf: {  	v3 =	vor.u32 v3, v4  }
0xc0: {  	v4 =	vperm.xlane v3, v0;
	_ =	sdelay $0x1  }
0xc1: {  	v4 =	vadd.s32 v1, v4;
	_ =	sdelay $0x3  }
0xc2: {  	v3 =	vperm.xlane v3, v2  }
0xc3: {  	[hbm4b:s3+s2] =	stream.indirect_vreg.scatter [tilespmem:s2], [sflag:$0x2], $0x80, v4, vm0, $0xb8;
	[tilespmem:$0x18100] =	vst v63  }
0xc4: {  	v3 =	vadd.s32 v1, v3  }
0xc5: {  	[hbm4b:s4+s2] =	stream.indirect_vreg.scatter [tilespmem:s1], [sflag:$0x2], $0x80, v4, vm0, $0xb8;
	[tilespmem:$0x18100] =	vst v63  }
0xc6: {  	_ = 	snop  }
0xc7: {  	[hbm4b:s5+s2] =	stream.indirect_vreg.scatter [tilespmem:s8], [sflag:$0x2], $0x80, v4, vm0, $0xb8;
	[tilespmem:$0x18100] =	vst v63  }
0xc8: {  	_ = 	snop  }
0xc9: {  	[hbm4b:s3+s2] =	stream.indirect_vreg.scatter [tilespmem:s9], [sflag:$0x2], $0x80, v3, vm0, $0xb8;
	[tilespmem:$0x18100] =	vst v63  }
0xca: {  	_ = 	snop  }
0xcb: {  	[hbm4b:s4+s2] =	stream.indirect_vreg.scatter [tilespmem:s10], [sflag:$0x2], $0x80, v3, vm0, $0xb8;
	[tilespmem:$0x18100] =	vst v63  }
0xcc: {  	_ = 	snop  }
0xcd: {  	[hbm4b:s5+s2] =	stream.indirect_vreg.scatter [tilespmem:s11], [sflag:$0x2], $0x80, v3, vm0, $0xb8;
	[tilespmem:$0x18100] =	vst v63  }
0xce: {  	v3 =	vld [tilespmem:$0x18090];
	_ =	sdelay $0x4  }
0xcf: {  	v57 =	vshrl.u32 v3, $0x3  }
0xd0: {  	v4 =	vmul.u32 $0x30, v57  }
0xd1: {  	v3 =	vand.u32 $0x7, v3  }
0xd2: {  	v3 =	vor.u32 v3, v4  }
0xd3: {  	v4 =	vperm.xlane v3, v0;
	_ =	sdelay $0x1  }
0xd4: {  	v4 =	vadd.s32 v1, v4;
	_ =	sdelay $0x3  }
0xd5: {  	v3 =	vperm.xlane v3, v2  }
0xd6: {  	[hbm4b:s3+s2] =	stream.indirect_vreg.scatter [tilespmem:s12], [sflag:$0x2], $0x80, v4, vm0, $0xb8;
	[tilespmem:$0x18100] =	vst v63  }
0xd7: {  	v3 =	vadd.s32 v1, v3  }
0xd8: {  	[hbm4b:s4+s2] =	stream.indirect_vreg.scatter [tilespmem:s13], [sflag:$0x2], $0x80, v4, vm0, $0xb8;
	[tilespmem:$0x18100] =	vst v63  }
0xd9: {  	_ = 	snop  }
0xda: {  	[hbm4b:s5+s2] =	stream.indirect_vreg.scatter [tilespmem:s14], [sflag:$0x2], $0x80, v4, vm0, $0xb8;
	[tilespmem:$0x18100] =	vst v63  }
0xdb: {  	_ = 	snop  }
0xdc: {  	[hbm4b:s3+s2] =	stream.indirect_vreg.scatter [tilespmem:s15], [sflag:$0x2], $0x80, v3, vm0, $0xb8;
	[tilespmem:$0x18100] =	vst v63  }
0xdd: {  	_ = 	snop  }
0xde: {  	[hbm4b:s4+s2] =	stream.indirect_vreg.scatter [tilespmem:s16], [sflag:$0x2], $0x80, v3, vm0, $0xb8;
	[tilespmem:$0x18100] =	vst v63  }
0xdf: {  	_ = 	snop  }
0xe0: {  	[hbm4b:s5+s2] =	stream.indirect_vreg.scatter [tilespmem:s17], [sflag:$0x2], $0x80, v3, vm0, $0xb8;
	[tilespmem:$0x18100] =	vst v63  }
0xe1: {  	v3 =	vld [tilespmem:$0x180A0];
	_ =	sdelay $0x4  }
0xe2: {  	v58 =	vshrl.u32 v3, $0x3  }
0xe3: {  	v4 =	vmul.u32 $0x30, v58  }
0xe4: {  	v3 =	vand.u32 $0x7, v3  }
0xe5: {  	v3 =	vor.u32 v3, v4  }
0xe6: {  	v4 =	vperm.xlane v3, v0;
	_ =	sdelay $0x1  }
0xe7: {  	v4 =	vadd.s32 v1, v4;
	_ =	sdelay $0x3  }
0xe8: {  	v3 =	vperm.xlane v3, v2  }
0xe9: {  	[hbm4b:s3+s2] =	stream.indirect_vreg.scatter [tilespmem:s18], [sflag:$0x2], $0x80, v4, vm0, $0xb8;
	[tilespmem:$0x18100] =	vst v63  }
0xea: {  	v3 =	vadd.s32 v1, v3  }
0xeb: {  	[hbm4b:s4+s2] =	stream.indirect_vreg.scatter [tilespmem:s19], [sflag:$0x2], $0x80, v4, vm0, $0xb8;
	[tilespmem:$0x18100] =	vst v63  }
0xec: {  	_ = 	snop  }
0xed: {  	[hbm4b:s5+s2] =	stream.indirect_vreg.scatter [tilespmem:s20], [sflag:$0x2], $0x80, v4, vm0, $0xb8;
	[tilespmem:$0x18100] =	vst v63  }
0xee: {  	_ = 	snop  }
0xef: {  	[hbm4b:s3+s2] =	stream.indirect_vreg.scatter [tilespmem:s21], [sflag:$0x2], $0x80, v3, vm0, $0xb8;
	[tilespmem:$0x18100] =	vst v63  }
0xf0: {  	_ = 	snop  }
0xf1: {  	[hbm4b:s4+s2] =	stream.indirect_vreg.scatter [tilespmem:s22], [sflag:$0x2], $0x80, v3, vm0, $0xb8;
	[tilespmem:$0x18100] =	vst v63  }
0xf2: {  	_ = 	snop  }
0xf3: {  	[hbm4b:s5+s2] =	stream.indirect_vreg.scatter [tilespmem:s23], [sflag:$0x2], $0x80, v3, vm0, $0xb8;
	[tilespmem:$0x18100] =	vst v63  }
0xf4: {  	v3 =	vld [tilespmem:$0x180B0];
	_ =	sdelay $0x4  }
0xf5: {  	v59 =	vshrl.u32 v3, $0x3  }
0xf6: {  	v4 =	vmul.u32 $0x30, v59  }
0xf7: {  	v3 =	vand.u32 $0x7, v3  }
0xf8: {  	v3 =	vor.u32 v3, v4  }
0xf9: {  	v4 =	vperm.xlane v3, v0;
	_ =	sdelay $0x1  }
0xfa: {  	v4 =	vadd.s32 v1, v4;
	_ =	sdelay $0x3  }
0xfb: {  	v3 =	vperm.xlane v3, v2  }
0xfc: {  	[hbm4b:s3+s2] =	stream.indirect_vreg.scatter [tilespmem:s24], [sflag:$0x2], $0x80, v4, vm0, $0xb8;
	[tilespmem:$0x18100] =	vst v63  }
0xfd: {  	v3 =	vadd.s32 v1, v3  }
0xfe: {  	[hbm4b:s4+s2] =	stream.indirect_vreg.scatter [tilespmem:s25], [sflag:$0x2], $0x80, v4, vm0, $0xb8;
	[tilespmem:$0x18100] =	vst v63  }
0xff: {  	_ = 	snop  }
0x100: {  	[hbm4b:s5+s2] =	stream.indirect_vreg.scatter [tilespmem:s26], [sflag:$0x2], $0x80, v4, vm0, $0xb8;
	[tilespmem:$0x18100] =	vst v63  }
0x101: {  	_ = 	snop  }
0x102: {  	[hbm4b:s3+s2] =	stream.indirect_vreg.scatter [tilespmem:s28], [sflag:$0x2], $0x80, v3, vm0, $0xb8;
	[tilespmem:$0x18100] =	vst v63  }
0x103: {  	_ = 	snop  }
0x104: {  	[hbm4b:s4+s2] =	stream.indirect_vreg.scatter [tilespmem:s29], [sflag:$0x2], $0x80, v3, vm0, $0xb8;
	[tilespmem:$0x18100] =	vst v63  }
0x105: {  	_ = 	snop  }
0x106: {  	[hbm4b:s5+s2] =	stream.indirect_vreg.scatter [tilespmem:s30], [sflag:$0x2], $0x80, v3, vm0, $0xb8;
	[tilespmem:$0x18100] =	vst v63  }
0x107: {  	v3 =	vld [tilespmem:$0x180C0];
	_ =	sdelay $0x4  }
0x108: {  	v60 =	vshrl.u32 v3, $0x3  }
0x109: {  	v4 =	vmul.u32 $0x30, v60  }
0x10a: {  	v3 =	vand.u32 $0x7, v3  }
0x10b: {  	v3 =	vor.u32 v3, v4  }
0x10c: {  	v4 =	vperm.xlane v3, v0;
	_ =	sdelay $0x1  }
0x10d: {  	v4 =	vadd.s32 v1, v4;
	_ =	sdelay $0x3  }
0x10e: {  	v3 =	vperm.xlane v3, v2  }
0x10f: {  	[hbm4b:s3+s2] =	stream.indirect_vreg.scatter [tilespmem:s31], [sflag:$0x2], $0x80, v4, vm0, $0xb8;
	[tilespmem:$0x18100] =	vst v63  }
0x110: {  	s8 =	simm.s32 $0xC800;
	v3 =	vadd.s32 v1, v3  }
0x111: {  	[hbm4b:s4+s2] =	stream.indirect_vreg.scatter [tilespmem:s8], [sflag:$0x2], $0x80, v4, vm0, $0xb8;
	[tilespmem:$0x18100] =	vst v63  }
0x112: {  	s8 =	simm.s32 $0xD000  }
0x113: {  	[hbm4b:s5+s2] =	stream.indirect_vreg.scatter [tilespmem:s8], [sflag:$0x2], $0x80, v4, vm0, $0xb8;
	[tilespmem:$0x18100] =	vst v63  }
0x114: {  	s8 =	simm.s32 $0xD800  }
0x115: {  	[hbm4b:s3+s2] =	stream.indirect_vreg.scatter [tilespmem:s8], [sflag:$0x2], $0x80, v3, vm0, $0xb8;
	[tilespmem:$0x18100] =	vst v63  }
0x116: {  	s8 =	simm.s32 $0xE000  }
0x117: {  	[hbm4b:s4+s2] =	stream.indirect_vreg.scatter [tilespmem:s8], [sflag:$0x2], $0x80, v3, vm0, $0xb8;
	[tilespmem:$0x18100] =	vst v63  }
0x118: {  	s8 =	simm.s32 $0xE800  }
0x119: {  	[hbm4b:s5+s2] =	stream.indirect_vreg.scatter [tilespmem:s8], [sflag:$0x2], $0x80, v3, vm0, $0xb8;
	[tilespmem:$0x18100] =	vst v63  }
0x11a: {  	v3 =	vld [tilespmem:$0x180D0];
	_ =	sdelay $0x4  }
0x11b: {  	v61 =	vshrl.u32 v3, $0x3  }
0x11c: {  	v4 =	vmul.u32 $0x30, v61  }
0x11d: {  	v3 =	vand.u32 $0x7, v3  }
0x11e: {  	v3 =	vor.u32 v3, v4  }
0x11f: {  	v4 =	vperm.xlane v3, v0;
	_ =	sdelay $0x1  }
0x120: {  	v4 =	vadd.s32 v1, v4;
	_ =	sdelay $0x3  }
0x121: {  	s8 =	simm.s32 $0xF000;
	v3 =	vperm.xlane v3, v2  }
0x122: {  	[hbm4b:s3+s2] =	stream.indirect_vreg.scatter [tilespmem:s8], [sflag:$0x2], $0x80, v4, vm0, $0xb8;
	[tilespmem:$0x18100] =	vst v63  }
0x123: {  	v3 =	vadd.s32 v1, v3;
	s8 =	simm.s32 $0xF800  }
0x124: {  	[hbm4b:s4+s2] =	stream.indirect_vreg.scatter [tilespmem:s8], [sflag:$0x2], $0x80, v4, vm0, $0xb8;
	[tilespmem:$0x18100] =	vst v63  }
0x125: {  	s8 =	simm.s32 $0x10000  }
0x126: {  	[hbm4b:s5+s2] =	stream.indirect_vreg.scatter [tilespmem:s8], [sflag:$0x2], $0x80, v4, vm0, $0xb8;
	[tilespmem:$0x18100] =	vst v63  }
0x127: {  	s8 =	simm.s32 $0x10800  }
0x128: {  	[hbm4b:s3+s2] =	stream.indirect_vreg.scatter [tilespmem:s8], [sflag:$0x2], $0x80, v3, vm0, $0xb8;
	[tilespmem:$0x18100] =	vst v63  }
0x129: {  	s8 =	simm.s32 $0x11000  }
0x12a: {  	[hbm4b:s4+s2] =	stream.indirect_vreg.scatter [tilespmem:s8], [sflag:$0x2], $0x80, v3, vm0, $0xb8;
	[tilespmem:$0x18100] =	vst v63  }
0x12b: {  	s8 =	simm.s32 $0x11800  }
0x12c: {  	[hbm4b:s5+s2] =	stream.indirect_vreg.scatter [tilespmem:s8], [sflag:$0x2], $0x80, v3, vm0, $0xb8;
	[tilespmem:$0x18100] =	vst v63  }
0x12d: {  	v3 =	vld [tilespmem:$0x180E0];
	_ =	sdelay $0x4  }
0x12e: {  	v62 =	vshrl.u32 v3, $0x3  }
0x12f: {  	v4 =	vmul.u32 $0x30, v62  }
0x130: {  	v3 =	vand.u32 $0x7, v3  }
0x131: {  	v3 =	vor.u32 v3, v4  }
0x132: {  	v4 =	vperm.xlane v3, v0;
	_ =	sdelay $0x1  }
0x133: {  	v4 =	vadd.s32 v1, v4;
	_ =	sdelay $0x3  }
0x134: {  	s8 =	simm.s32 $0x12000;
	v3 =	vperm.xlane v3, v2  }
0x135: {  	[hbm4b:s3+s2] =	stream.indirect_vreg.scatter [tilespmem:s8], [sflag:$0x2], $0x80, v4, vm0, $0xb8;
	[tilespmem:$0x18100] =	vst v63  }
0x136: {  	v3 =	vadd.s32 v1, v3;
	s8 =	simm.s32 $0x12800  }
0x137: {  	[hbm4b:s4+s2] =	stream.indirect_vreg.scatter [tilespmem:s8], [sflag:$0x2], $0x80, v4, vm0, $0xb8;
	[tilespmem:$0x18100] =	vst v63  }
0x138: {  	s8 =	simm.s32 $0x13000  }
0x139: {  	[hbm4b:s5+s2] =	stream.indirect_vreg.scatter [tilespmem:s8], [sflag:$0x2], $0x80, v4, vm0, $0xb8;
	[tilespmem:$0x18100] =	vst v63  }
0x13a: {  	s8 =	simm.s32 $0x13800  }
0x13b: {  	[hbm4b:s3+s2] =	stream.indirect_vreg.scatter [tilespmem:s8], [sflag:$0x2], $0x80, v3, vm0, $0xb8;
	[tilespmem:$0x18100] =	vst v63  }
0x13c: {  	s8 =	simm.s32 $0x14000  }
0x13d: {  	[hbm4b:s4+s2] =	stream.indirect_vreg.scatter [tilespmem:s8], [sflag:$0x2], $0x80, v3, vm0, $0xb8;
	[tilespmem:$0x18100] =	vst v63  }
0x13e: {  	s8 =	simm.s32 $0x14800  }
0x13f: {  	[hbm4b:s5+s2] =	stream.indirect_vreg.scatter [tilespmem:s8], [sflag:$0x2], $0x80, v3, vm0, $0xb8;
	[tilespmem:$0x18100] =	vst v63  }
0x140: {  	v3 =	vld [tilespmem:$0x180F0];
	_ =	sdelay $0x4  }
0x141: {  	v63 =	vshrl.u32 v3, $0x3  }
0x142: {  	v4 =	vmul.u32 $0x30, v63  }
0x143: {  	v3 =	vand.u32 $0x7, v3  }
0x144: {  	v3 =	vor.u32 v3, v4  }
0x145: {  	v4 =	vperm.xlane v3, v0;
	_ =	sdelay $0x1  }
0x146: {  	v4 =	vadd.s32 v1, v4;
	_ =	sdelay $0x3  }
0x147: {  	s8 =	simm.s32 $0x15000;
	v3 =	vperm.xlane v3, v2  }
0x148: {  	[hbm4b:s3+s2] =	stream.indirect_vreg.scatter [tilespmem:s8], [sflag:$0x2], $0x80, v4, vm0, $0xb8;
	[tilespmem:$0x18100] =	vst v63  }
0x149: {  	v3 =	vadd.s32 v1, v3;
	s8 =	simm.s32 $0x15800  }
0x14a: {  	[hbm4b:s4+s2] =	stream.indirect_vreg.scatter [tilespmem:s8], [sflag:$0x2], $0x80, v4, vm0, $0xb8;
	[tilespmem:$0x18100] =	vst v63  }
0x14b: {  	s8 =	simm.s32 $0x16000  }
0x14c: {  	[hbm4b:s5+s2] =	stream.indirect_vreg.scatter [tilespmem:s8], [sflag:$0x2], $0x80, v4, vm0, $0xb8;
	[tilespmem:$0x18100] =	vst v63  }
0x14d: {  	s8 =	simm.s32 $0x16800  }
0x14e: {  	[hbm4b:s3+s2] =	stream.indirect_vreg.scatter [tilespmem:s8], [sflag:$0x2], $0x80, v3, vm0, $0xb8;
	[tilespmem:$0x18100] =	vst v63  }
0x14f: {  	s8 =	simm.s32 $0x17000  }
0x150: {  	[hbm4b:s4+s2] =	stream.indirect_vreg.scatter [tilespmem:s8], [sflag:$0x2], $0x80, v3, vm0, $0xb8;
	[tilespmem:$0x18100] =	vst v63  }
0x151: {  	s1 =	simm.s32 $0x1  }
0x152: {  	[hbm4b:s5+s2] =	stream.indirect_vreg.scatter [tilespmem:s0], [sflag:$0x2], $0x80, v3, vm0, $0xb8;
	[tilespmem:$0x18100] =	vst v63  }
0x153: {  	p0 =	sne.s32 s6, $0x1;
	_ =	swait.ge [sflag:s1], $0x18000  }
.Ltmp0:
0x154: {  	[sflag:s1] =	ssyncset.done $0x0;
	(pc) =	sbr.rel @p0 .LBB2_1-.Ltmp0, $4  }
0x155: {  	s8 =	simm.s32 $0x2;
	[sflag:s1] =	ssyncadd.s32 $0xFFFE8000  }
0x156: {  	_ =	swait.ge [sflag:s8], $0x18000  }
0x157: {  	[sflag:s8] =	ssyncset.done $0x0  }
0x158: {  	s6 =	sadd.s32 $0xFFFFFFFF, s6;
	[sflag:s8] =	ssyncadd.s32 $0xFFFE8000  }
0x159: {  	_ =	sfence.sel $0x180000  }
0x15a: {  	[bflag:$0x0] =	sbarrier.arrive $0xFFFF  }
0x15b: {  	_ =	strace $0x90000047  }
0x15c: {  	s0 =	stileid.u32;
	[bflag:$0x2] =	sbarrier.arrive $0xFFFF  }
0x15d: {  	p0 =	sne.s32 s0, $0x0;
	s0 =	rddreg [dreg:$0x3]  }
0x15e: {  	s0 =	sadd.s32 @!p0 $0x100000, s0  }
0x15f: {  	[sflag:s0] =	ssyncadd.tile.s32 @!p0 $0x1;
	_ =	shalt  }
.Lfunc_end2:
_tile_overlayer_lowered:
.L_overlay_start_2:
0x160: {  	(tag) =	ssettag $0x2  }
0x161: {  	s0 =	rddreg [dreg:$0x0];
	s2 =	stileid.u32  }
0x162: {  	s1 =	rddreg [dreg:$0x1];
	p0 =	sne.s32 s2, $0x0  }
0x163: {  	s3 =	rddreg [dreg:$0x2];
	[bflag:$0x3] =	sbarrier.arrive $0xFFFF;
	s2 =	simm.s32 @!p0 $0x1C03  }
0x164: {  	[timem:s3], [sflag:s2] =	dma.local @!p0 [hbm:s0], s1  }
0x165: {  	s0 =	simm.s32 @!p0 $0x3  }
0x166: {  	_ =	swait.ge @!p0 [sflag:s0], s1  }
0x167: {  	s1 =	ssub.s32 @!p0 $0x0, s1;
	[sflag:s0] =	ssyncset.done @!p0 $0x0  }
0x168: {  	[sflag:s0] =	ssyncadd.s32 @!p0 s1  }
0x169: {  	[bflag:$0x3] =	sbarrier.arrive $0xFFFF  }
0x16a: {  	_ =	shalt  }

</sc_bundles>
